<compile_context>
chip_gen: v7x
topology: tpu7x:2x2x1
jax: 0.10.2.dev20260603
libtpu: 0.0.44.dev20260713+nightly
codegen_flags: <defaults>
</compile_context>

<pallas_src>
import functools

import jax
import jax.numpy as jnp
from jax import lax
from jax.experimental import pallas as pl
from jax.experimental.pallas import tpu as pltpu
from jax.experimental.pallas import tpu_sc as plsc

B = 1024
D = 64
K = 100000
NN = 5
KC = 8704
NCH = 12
CAND = NCH * NN
CPAD = 64
NW = 32
QPW = B // NW


BB = 512
NB = B // BB
S = 128
NSTR = KC // S


def _stage1(x_ref, q2_ref, db2_ref, xn_ref, vals_ref, idx_ref, d_ref,
            best_ref, cbest_ref):
    j = pl.program_id(0)
    i = pl.program_id(1)
    dots = lax.dot_general(x_ref[...], xn_ref[...], (((1,), (1,)), ((), ())),
                           preferred_element_type=jnp.float32,
                           precision=lax.Precision.DEFAULT)
    d_ref[...] = (q2_ref[...] + db2_ref[...]) - 2.0 * dots
    big = jnp.int32(2 ** 30)
    inf = jnp.float32(jnp.inf)

    def pass_body(t, carry):
        m_prev, am_prev, mv, iv = carry
        mp = m_prev[:, None]
        ap = am_prev[:, None]
        best_ref[...] = jnp.full((BB, S), inf, jnp.float32)
        cbest_ref[...] = jnp.full((BB, S), big, jnp.int32)

        def strip(s, _):
            dc = d_ref[:, pl.ds(pl.multiple_of(s * S, S), S)]
            col = lax.broadcasted_iota(jnp.int32, (BB, S), 1) + s * S
            ok = (dc > mp) | ((dc == mp) & (col > ap))
            upd = ok & (dc < best_ref[...])
            best_ref[...] = jnp.where(upd, dc, best_ref[...])
            cbest_ref[...] = jnp.where(upd, col, cbest_ref[...])
            return 0

        lax.fori_loop(0, NSTR, strip, 0)
        best = best_ref[...]
        m = jnp.min(best, axis=1)
        am = jnp.min(jnp.where(best == m[:, None], cbest_ref[...], big),
                     axis=1)
        mv = tuple(jnp.where(t == tt, m, mv[tt]) for tt in range(NN))
        iv = tuple(jnp.where(t == tt, am, iv[tt]) for tt in range(NN))
        return m, am, mv, iv

    zf = jnp.zeros((BB,), jnp.float32)
    zi = jnp.zeros((BB,), jnp.int32)
    _, _, mv, iv = lax.fori_loop(
        0, NN, pass_body,
        (jnp.full((BB,), -inf, jnp.float32),
         jnp.full((BB,), jnp.int32(-1)), (zf,) * NN, (zi,) * NN))
    for tt in range(NN):
        vals_ref[0, tt, pl.ds(i * BB, BB)] = mv[tt]
        idx_ref[0, tt, pl.ds(i * BB, BB)] = iv[tt] + j * KC


def _stage2(vals_hbm, idx_hbm, y_hbm, out_hbm, vv, iv, yg, ov, sem):
    wid = lax.axis_index("s") * 2 + lax.axis_index("c")
    for g in range(QPW // 16):
        gi = wid * (QPW // 16) + g
        pltpu.sync_copy(vals_hbm.at[pl.ds(gi * CPAD * 16, CPAD * 16)], vv)
        pltpu.sync_copy(idx_hbm.at[pl.ds(gi * CPAD * 16, CPAD * 16)], iv)
        carry0 = (jnp.full((16,), jnp.inf, jnp.float32),) * NN + (
            jnp.zeros((16,), jnp.int32),) * NN

        def body(c, carry):
            bv = list(carry[:NN])
            bi = list(carry[NN:])
            v = vv[pl.ds(c * 16, 16)]
            ix = iv[pl.ds(c * 16, 16)]
            for t in range(NN):
                sw = v < bv[t]
                nv = jnp.where(sw, v, bv[t])
                ni = jnp.where(sw, ix, bi[t])
                v = jnp.where(sw, bv[t], v)
                ix = jnp.where(sw, bi[t], ix)
                bv[t] = nv
                bi[t] = ni
            return tuple(bv) + tuple(bi)

        carry = lax.fori_loop(0, CPAD, body, carry0)
        for t in range(NN):
            pltpu.async_copy(y_hbm.at[carry[NN + t]], yg.at[t], sem).wait()
        s = yg[0, :]
        for t in range(1, NN):
            s = s + yg[t, :]
        ov[...] = s * jnp.float32(1.0 / NN)
        pltpu.sync_copy(ov, out_hbm.at[pl.ds(gi * 16, 16)])


def _make_stage2():
    mesh = plsc.VectorSubcoreMesh(core_axis_name="c", subcore_axis_name="s")
    return pl.kernel(
        _stage2,
        mesh=mesh,
        out_type=jax.ShapeDtypeStruct((B,), jnp.float32),
        scratch_types=[
            pltpu.VMEM((CPAD * 16,), jnp.float32),
            pltpu.VMEM((CPAD * 16,), jnp.int32),
            pltpu.VMEM((NN, 16), jnp.float32),
            pltpu.VMEM((16,), jnp.float32),
            pltpu.SemaphoreType.DMA,
        ],
    )


def kernel(feats, feat_means, feat_stds, Xn, y_arr):
    x = (feats - feat_means) / feat_stds
    q2 = jnp.sum(x * x, axis=1, keepdims=True)
    db2 = jnp.sum(Xn * Xn, axis=1)[None, :]
    kpad = NCH * KC - K
    xn_pad = jnp.pad(Xn, ((0, kpad), (0, 0)))
    db2_pad = jnp.pad(db2, ((0, 0), (0, kpad)),
                      constant_values=jnp.inf)
    vals_t, idx_t = pl.pallas_call(
        _stage1,
        grid=(NCH, NB),
        in_specs=[
            pl.BlockSpec((BB, D), lambda j, i: (i, 0)),
            pl.BlockSpec((BB, 1), lambda j, i: (i, 0)),
            pl.BlockSpec((1, KC), lambda j, i: (0, j)),
            pl.BlockSpec((KC, D), lambda j, i: (j, 0)),
        ],
        out_specs=[
            pl.BlockSpec((1, NN, B), lambda j, i: (j, 0, 0)),
            pl.BlockSpec((1, NN, B), lambda j, i: (j, 0, 0)),
        ],
        out_shape=[
            jax.ShapeDtypeStruct((NCH, NN, B), jnp.float32),
            jax.ShapeDtypeStruct((NCH, NN, B), jnp.int32),
        ],
        scratch_shapes=[pltpu.VMEM((BB, KC), jnp.float32),
                        pltpu.VMEM((BB, S), jnp.float32),
                        pltpu.VMEM((BB, S), jnp.int32)],
    )(x, q2, db2_pad, xn_pad)

    vals2 = jnp.concatenate(
        [vals_t.reshape(CAND, B),
         jnp.full((CPAD - CAND, B), jnp.inf, jnp.float32)], axis=0)
    idx2 = jnp.concatenate(
        [idx_t.reshape(CAND, B),
         jnp.zeros((CPAD - CAND, B), jnp.int32)], axis=0)
    vflat = vals2.reshape(CPAD, B // 16, 16).transpose(1, 0, 2).reshape(-1)
    iflat = idx2.reshape(CPAD, B // 16, 16).transpose(1, 0, 2).reshape(-1)
    preds = _make_stage2()(vflat, iflat, y_arr)
    return preds[:, None]

# --- scband reference (transcript-rebuilt; emitter-appended) ---
"""Pipeline reference for scband-knn-model-31937376813221 (READ-ONLY COPY).

The authoritative reference and input builder live on the scoring server;
editing this copy changes nothing except your own understanding.
"""

import jax, jax.numpy as jnp
import numpy as np

B = 1024
D = 64
K = 100000
NN = 5

def setup_inputs(seed: int = 0) -> dict:
    key = jax.random.key(seed)
    k1, k2, k3, k4, k5 = jax.random.split(key, 5)
    feats = jax.random.normal(k1, (B, D), dtype=jnp.float32)
    feat_means = jax.random.normal(k2, (D,), dtype=jnp.float32) * 0.1
    feat_stds = jax.random.uniform(k3, (D,), minval=0.5, maxval=1.5, dtype=jnp.float32)
    Xn = jax.random.normal(k4, (K, D), dtype=jnp.float32)
    y_arr = jax.random.normal(k5, (K,), dtype=jnp.float32)
    return {"feats": feats, "feat_means": feat_means, "feat_stds": feat_stds, "Xn": Xn, "y_arr": y_arr}

def reference(feats, feat_means, feat_stds, Xn, y_arr):
    # normalization per forward(): (feats - means) / stds, then slice to len(usecols)
    x = (feats - feat_means) / feat_stds
    x = x[:, :D]
    # KNeighborsRegressor.predict with uniform weights:
    # find n_neighbors nearest by Euclidean distance, average their y values
    q2 = jnp.sum(x * x, axis=1, keepdims=True)          # (B, 1)
    db2 = jnp.sum(Xn * Xn, axis=1)[None, :]             # (1, K)
    d2 = q2 + db2 - 2.0 * (x @ Xn.T)                    # (B, K) squared distances
    _, idx = jax.lax.top_k(-d2, NN)                     # nearest NN indices
    neigh_y = y_arr[idx]                                # (B, NN) gather
    preds = jnp.mean(neigh_y, axis=1)                   # uniform weights
    return preds[:, None]                               # (B, 1) like unsqueeze(1)

if __name__ == "__main__":
    import jax
    _d = setup_inputs()
    print(jax.jit(kernel)(*tuple(_d.values())))

</pallas_src>

<mosaic_0001>
#map = affine_map<(d0, d1) -> (0)>
module attributes {stable_mosaic.version = 14 : i64} {
  func.func @_stage2(%arg0: i32, %arg1: i32, %arg2: memref<65536xf32, #tpu.memory_space<hbm>>, %arg3: memref<65536xi32, #tpu.memory_space<hbm>>, %arg4: memref<100000xf32, #tpu.memory_space<hbm>>, %arg5: memref<1024xf32, #tpu.memory_space<hbm>>, %arg6: memref<1024xf32, #tpu.memory_space<vmem>>, %arg7: memref<1024xi32, #tpu.memory_space<vmem>>, %arg8: memref<5x16xf32, #tpu.memory_space<vmem>>, %arg9: memref<16xf32, #tpu.memory_space<vmem>>, %arg10: memref<!tpu.dma_semaphore, #tpu.memory_space<semaphore_mem>>) attributes {dimension_semantics = [#tpu.dimension_semantics<core_parallel>, #tpu.dimension_semantics<subcore_parallel>], iteration_bounds = array<i64: 2, 16>, scalar_prefetch = 0 : i64, scratch_operands = 5 : i64, tpu.core_type = #tpu.core_type<sc_vector_subcore>, window_params = [{transform_indices = #map}, {transform_indices = #map}, {transform_indices = #map}, {transform_indices = #map}]} {
    %mul3A = arith.constant 2 : i32
    %mul3A_0 = arith.muli %arg1, %mul3A : i32
    %add3A = arith.addi %mul3A_0, %arg0 : i32
    %mul3A_1 = arith.constant 2 : i32
    %mul3A_2 = arith.muli %add3A, %mul3A_1 : i32
    %add3A_3 = arith.constant 0 : i32
    %add3A_4 = arith.addi %mul3A_2, %add3A_3 : i32
    %mul3A_5 = arith.constant 64 : i32
    %mul3A_6 = arith.muli %add3A_4, %mul3A_5 : i32
    %mul3A_7 = arith.constant 16 : i32
    %mul3A_8 = arith.muli %mul3A_6, %mul3A_7 : i32
    "tpu.region"() ({
      %run_scoped3A = tpu.sem_alloc : memref<!tpu.dma_semaphore, #tpu.memory_space<semaphore_mem>>
      %dma_start3A_235 = tpu.memref_slice %arg2[%mul3A_8] : memref<65536xf32, #tpu.memory_space<hbm>> -> memref<1024xf32, #tpu.memory_space<hbm>>
      %dma_start3A_236 = tpu.memref_slice %arg2[%mul3A_8] : memref<65536xf32, #tpu.memory_space<hbm>> -> memref<1024xf32, #tpu.memory_space<hbm>>
      tpu.enqueue_dma source(%dma_start3A_236 : memref<1024xf32, #tpu.memory_space<hbm>>) target(%arg6 : memref<1024xf32, #tpu.memory_space<vmem>>) target_semaphore(%run_scoped3A : memref<!tpu.dma_semaphore, #tpu.memory_space<semaphore_mem>>)
      %dma_wait3A_237 = tpu.memref_slice %arg2[%mul3A_8] : memref<65536xf32, #tpu.memory_space<hbm>> -> memref<1024xf32, #tpu.memory_space<hbm>>
      %dma_wait3A_238 = tpu.memref_slice %arg2[%mul3A_8] : memref<65536xf32, #tpu.memory_space<hbm>> -> memref<1024xf32, #tpu.memory_space<hbm>>
      tpu.wait_dma2 semaphore(%run_scoped3A : memref<!tpu.dma_semaphore, #tpu.memory_space<semaphore_mem>>) src(%dma_wait3A_238 : memref<1024xf32, #tpu.memory_space<hbm>>) dst(%arg6 : memref<1024xf32, #tpu.memory_space<vmem>>)
      tpu.yield
    }) : () -> ()
    %mul3A_9 = arith.constant 64 : i32
    %mul3A_10 = arith.muli %add3A_4, %mul3A_9 : i32
    %mul3A_11 = arith.constant 16 : i32
    %mul3A_12 = arith.muli %mul3A_10, %mul3A_11 : i32
    "tpu.region"() ({
      %run_scoped3A = tpu.sem_alloc : memref<!tpu.dma_semaphore, #tpu.memory_space<semaphore_mem>>
      %dma_start3A_235 = tpu.memref_slice %arg3[%mul3A_12] : memref<65536xi32, #tpu.memory_space<hbm>> -> memref<1024xi32, #tpu.memory_space<hbm>>
      %dma_start3A_236 = tpu.memref_slice %arg3[%mul3A_12] : memref<65536xi32, #tpu.memory_space<hbm>> -> memref<1024xi32, #tpu.memory_space<hbm>>
      tpu.enqueue_dma source(%dma_start3A_236 : memref<1024xi32, #tpu.memory_space<hbm>>) target(%arg7 : memref<1024xi32, #tpu.memory_space<vmem>>) target_semaphore(%run_scoped3A : memref<!tpu.dma_semaphore, #tpu.memory_space<semaphore_mem>>)
      %dma_wait3A_237 = tpu.memref_slice %arg3[%mul3A_12] : memref<65536xi32, #tpu.memory_space<hbm>> -> memref<1024xi32, #tpu.memory_space<hbm>>
      %dma_wait3A_238 = tpu.memref_slice %arg3[%mul3A_12] : memref<65536xi32, #tpu.memory_space<hbm>> -> memref<1024xi32, #tpu.memory_space<hbm>>
      tpu.wait_dma2 semaphore(%run_scoped3A : memref<!tpu.dma_semaphore, #tpu.memory_space<semaphore_mem>>) src(%dma_wait3A_238 : memref<1024xi32, #tpu.memory_space<hbm>>) dst(%arg7 : memref<1024xi32, #tpu.memory_space<vmem>>)
      tpu.yield
    }) : () -> ()
    %broadcast_in_dim3A = arith.constant 0x7F800000 : f32
    %broadcast_in_dim3A_13 = vector.broadcast %broadcast_in_dim3A : f32 to vector<16xf32>
    %broadcast_in_dim3A_14 = arith.constant 0 : i32
    %broadcast_in_dim3A_15 = vector.broadcast %broadcast_in_dim3A_14 : i32 to vector<16xi32>
    %scan3A = arith.constant 0 : i32
    %scan3A_16 = arith.constant 64 : i32
    %scan3A_17 = arith.addi %scan3A, %scan3A_16 : i32
    %scan3A_18 = arith.constant 1 : i32
    %scan3A_19:10 = scf.for %scan3A_235 = %scan3A to %scan3A_17 step %scan3A_18 iter_args(%scan3A_236 = %broadcast_in_dim3A_13, %scan3A_237 = %broadcast_in_dim3A_13, %scan3A_238 = %broadcast_in_dim3A_13, %scan3A_239 = %broadcast_in_dim3A_13, %scan3A_240 = %broadcast_in_dim3A_13, %scan3A_241 = %broadcast_in_dim3A_15, %scan3A_242 = %broadcast_in_dim3A_15, %scan3A_243 = %broadcast_in_dim3A_15, %scan3A_244 = %broadcast_in_dim3A_15, %scan3A_245 = %broadcast_in_dim3A_15) -> (vector<16xf32>, vector<16xf32>, vector<16xf32>, vector<16xf32>, vector<16xf32>, vector<16xi32>, vector<16xi32>, vector<16xi32>, vector<16xi32>, vector<16xi32>)  : i32 {
      %mul3A_246 = arith.constant 16 : i32
      %mul3A_247 = arith.muli %scan3A_235, %mul3A_246 : i32
      %get3A_248 = arith.index_cast %mul3A_247 : i32 to index
      %get3A_249 = tpu.vector_load %arg6[%get3A_248] {strides = array<i32>} : memref<1024xf32, #tpu.memory_space<vmem>>, vector<16xf32>,
      %get3A_250 = vector.shape_cast %get3A_249 : vector<16xf32> to vector<16xf32>
      %mul3A_251 = arith.constant 16 : i32
      %mul3A_252 = arith.muli %scan3A_235, %mul3A_251 : i32
      %get3A_253 = arith.index_cast %mul3A_252 : i32 to index
      %get3A_254 = tpu.vector_load %arg7[%get3A_253] {strides = array<i32>} : memref<1024xi32, #tpu.memory_space<vmem>>, vector<16xi32>,
      %get3A_255 = vector.shape_cast %get3A_254 : vector<16xi32> to vector<16xi32>
      %lt3A = arith.cmpf olt, %get3A_250, %scan3A_236 : vector<16xf32>
      %select_n3A = arith.select %lt3A, %get3A_250, %scan3A_236 : vector<16xi1>, vector<16xf32>
      %select_n3A_256 = arith.select %lt3A, %get3A_255, %scan3A_241 : vector<16xi1>, vector<16xi32>
      %select_n3A_257 = arith.select %lt3A, %scan3A_236, %get3A_250 : vector<16xi1>, vector<16xf32>
      %select_n3A_258 = arith.select %lt3A, %scan3A_241, %get3A_255 : vector<16xi1>, vector<16xi32>
      %lt3A_259 = arith.cmpf olt, %select_n3A_257, %scan3A_237 : vector<16xf32>
      %select_n3A_260 = arith.select %lt3A_259, %select_n3A_257, %scan3A_237 : vector<16xi1>, vector<16xf32>
      %select_n3A_261 = arith.select %lt3A_259, %select_n3A_258, %scan3A_242 : vector<16xi1>, vector<16xi32>
      %select_n3A_262 = arith.select %lt3A_259, %scan3A_237, %select_n3A_257 : vector<16xi1>, vector<16xf32>
      %select_n3A_263 = arith.select %lt3A_259, %scan3A_242, %select_n3A_258 : vector<16xi1>, vector<16xi32>
      %lt3A_264 = arith.cmpf olt, %select_n3A_262, %scan3A_238 : vector<16xf32>
      %select_n3A_265 = arith.select %lt3A_264, %select_n3A_262, %scan3A_238 : vector<16xi1>, vector<16xf32>
      %select_n3A_266 = arith.select %lt3A_264, %select_n3A_263, %scan3A_243 : vector<16xi1>, vector<16xi32>
      %select_n3A_267 = arith.select %lt3A_264, %scan3A_238, %select_n3A_262 : vector<16xi1>, vector<16xf32>
      %select_n3A_268 = arith.select %lt3A_264, %scan3A_243, %select_n3A_263 : vector<16xi1>, vector<16xi32>
      %lt3A_269 = arith.cmpf olt, %select_n3A_267, %scan3A_239 : vector<16xf32>
      %select_n3A_270 = arith.select %lt3A_269, %select_n3A_267, %scan3A_239 : vector<16xi1>, vector<16xf32>
      %select_n3A_271 = arith.select %lt3A_269, %select_n3A_268, %scan3A_244 : vector<16xi1>, vector<16xi32>
      %select_n3A_272 = arith.select %lt3A_269, %scan3A_239, %select_n3A_267 : vector<16xi1>, vector<16xf32>
      %select_n3A_273 = arith.select %lt3A_269, %scan3A_244, %select_n3A_268 : vector<16xi1>, vector<16xi32>
      %lt3A_274 = arith.cmpf olt, %select_n3A_272, %scan3A_240 : vector<16xf32>
      %select_n3A_275 = arith.select %lt3A_274, %select_n3A_272, %scan3A_240 : vector<16xi1>, vector<16xf32>
      %select_n3A_276 = arith.select %lt3A_274, %select_n3A_273, %scan3A_245 : vector<16xi1>, vector<16xi32>
      %select_n3A_277 = arith.select %lt3A_274, %scan3A_240, %select_n3A_272 : vector<16xi1>, vector<16xf32>
      %select_n3A_278 = arith.select %lt3A_274, %scan3A_245, %select_n3A_273 : vector<16xi1>, vector<16xi32>
      scf.yield %select_n3A, %select_n3A_260, %select_n3A_265, %select_n3A_270, %select_n3A_275, %select_n3A_256, %select_n3A_261, %select_n3A_266, %select_n3A_271, %select_n3A_276 : vector<16xf32>, vector<16xf32>, vector<16xf32>, vector<16xf32>, vector<16xf32>, vector<16xi32>, vector<16xi32>, vector<16xi32>, vector<16xi32>, vector<16xi32>
    }
    %scan3A_20 = arith.constant 64 : i32
    %dma_start3A = arith.constant 0 : i32
    %dma_start3A_21 = arith.constant 0 : i32
    %dma_start3A_22 = tpu.memref_slice %arg8[%dma_start3A, %dma_start3A_21] : memref<5x16xf32, #tpu.memory_space<vmem>> -> memref<1x16xf32, #tpu.memory_space<vmem>>
    %dma_start3A_23 = tpu.memref_squeeze %dma_start3A_22 : memref<1x16xf32, #tpu.memory_space<vmem>> -> memref<16xf32, #tpu.memory_space<vmem>>
    %dma_start3A_24 = arith.constant 0 : i32
    %dma_start3A_25 = tpu.memref_slice %arg4[%dma_start3A_24] : memref<100000xf32, #tpu.memory_space<hbm>> -> memref<100000xf32, #tpu.memory_space<hbm>>
    tpu.enqueue_indirect_dma source(%dma_start3A_25 : memref<100000xf32, #tpu.memory_space<hbm>>) target(%dma_start3A_23 : memref<16xf32, #tpu.memory_space<vmem>>) offsets(%scan3A_19#5 : vector<16xi32>) semaphore(%arg10 : memref<!tpu.dma_semaphore, #tpu.memory_space<semaphore_mem>>)
    %dma_wait3A = arith.constant 0 : i32
    %dma_wait3A_26 = arith.constant 0 : i32
    %dma_wait3A_27 = tpu.memref_slice %arg8[%dma_wait3A, %dma_wait3A_26] : memref<5x16xf32, #tpu.memory_space<vmem>> -> memref<1x16xf32, #tpu.memory_space<vmem>>
    %dma_wait3A_28 = tpu.memref_squeeze %dma_wait3A_27 : memref<1x16xf32, #tpu.memory_space<vmem>> -> memref<16xf32, #tpu.memory_space<vmem>>
    %dma_wait3A_29 = arith.constant 0 : i32
    %dma_wait3A_30 = tpu.memref_slice %arg4[%dma_wait3A_29] : memref<100000xf32, #tpu.memory_space<hbm>> -> memref<100000xf32, #tpu.memory_space<hbm>>
    tpu.wait_indirect_dma semaphore(%arg10 : memref<!tpu.dma_semaphore, #tpu.memory_space<semaphore_mem>>) src(%dma_wait3A_30 : memref<100000xf32, #tpu.memory_space<hbm>>) dst(%dma_wait3A_28 : memref<16xf32, #tpu.memory_space<vmem>>)
    %dma_start3A_31 = arith.constant 1 : i32
    %dma_start3A_32 = arith.constant 0 : i32
    %dma_start3A_33 = tpu.memref_slice %arg8[%dma_start3A_31, %dma_start3A_32] : memref<5x16xf32, #tpu.memory_space<vmem>> -> memref<1x16xf32, #tpu.memory_space<vmem>>
    %dma_start3A_34 = tpu.memref_squeeze %dma_start3A_33 : memref<1x16xf32, #tpu.memory_space<vmem>> -> memref<16xf32, #tpu.memory_space<vmem>>
    %dma_start3A_35 = arith.constant 0 : i32
    %dma_start3A_36 = tpu.memref_slice %arg4[%dma_start3A_35] : memref<100000xf32, #tpu.memory_space<hbm>> -> memref<100000xf32, #tpu.memory_space<hbm>>
    tpu.enqueue_indirect_dma source(%dma_start3A_36 : memref<100000xf32, #tpu.memory_space<hbm>>) target(%dma_start3A_34 : memref<16xf32, #tpu.memory_space<vmem>>) offsets(%scan3A_19#6 : vector<16xi32>) semaphore(%arg10 : memref<!tpu.dma_semaphore, #tpu.memory_space<semaphore_mem>>)
    %dma_wait3A_37 = arith.constant 1 : i32
    %dma_wait3A_38 = arith.constant 0 : i32
    %dma_wait3A_39 = tpu.memref_slice %arg8[%dma_wait3A_37, %dma_wait3A_38] : memref<5x16xf32, #tpu.memory_space<vmem>> -> memref<1x16xf32, #tpu.memory_space<vmem>>
    %dma_wait3A_40 = tpu.memref_squeeze %dma_wait3A_39 : memref<1x16xf32, #tpu.memory_space<vmem>> -> memref<16xf32, #tpu.memory_space<vmem>>
    %dma_wait3A_41 = arith.constant 0 : i32
    %dma_wait3A_42 = tpu.memref_slice %arg4[%dma_wait3A_41] : memref<100000xf32, #tpu.memory_space<hbm>> -> memref<100000xf32, #tpu.memory_space<hbm>>
    tpu.wait_indirect_dma semaphore(%arg10 : memref<!tpu.dma_semaphore, #tpu.memory_space<semaphore_mem>>) src(%dma_wait3A_42 : memref<100000xf32, #tpu.memory_space<hbm>>) dst(%dma_wait3A_40 : memref<16xf32, #tpu.memory_space<vmem>>)
    %dma_start3A_43 = arith.constant 2 : i32
    %dma_start3A_44 = arith.constant 0 : i32
    %dma_start3A_45 = tpu.memref_slice %arg8[%dma_start3A_43, %dma_start3A_44] : memref<5x16xf32, #tpu.memory_space<vmem>> -> memref<1x16xf32, #tpu.memory_space<vmem>>
    %dma_start3A_46 = tpu.memref_squeeze %dma_start3A_45 : memref<1x16xf32, #tpu.memory_space<vmem>> -> memref<16xf32, #tpu.memory_space<vmem>>
    %dma_start3A_47 = arith.constant 0 : i32
    %dma_start3A_48 = tpu.memref_slice %arg4[%dma_start3A_47] : memref<100000xf32, #tpu.memory_space<hbm>> -> memref<100000xf32, #tpu.memory_space<hbm>>
    tpu.enqueue_indirect_dma source(%dma_start3A_48 : memref<100000xf32, #tpu.memory_space<hbm>>) target(%dma_start3A_46 : memref<16xf32, #tpu.memory_space<vmem>>) offsets(%scan3A_19#7 : vector<16xi32>) semaphore(%arg10 : memref<!tpu.dma_semaphore, #tpu.memory_space<semaphore_mem>>)
    %dma_wait3A_49 = arith.constant 2 : i32
    %dma_wait3A_50 = arith.constant 0 : i32
    %dma_wait3A_51 = tpu.memref_slice %arg8[%dma_wait3A_49, %dma_wait3A_50] : memref<5x16xf32, #tpu.memory_space<vmem>> -> memref<1x16xf32, #tpu.memory_space<vmem>>
    %dma_wait3A_52 = tpu.memref_squeeze %dma_wait3A_51 : memref<1x16xf32, #tpu.memory_space<vmem>> -> memref<16xf32, #tpu.memory_space<vmem>>
    %dma_wait3A_53 = arith.constant 0 : i32
    %dma_wait3A_54 = tpu.memref_slice %arg4[%dma_wait3A_53] : memref<100000xf32, #tpu.memory_space<hbm>> -> memref<100000xf32, #tpu.memory_space<hbm>>
    tpu.wait_indirect_dma semaphore(%arg10 : memref<!tpu.dma_semaphore, #tpu.memory_space<semaphore_mem>>) src(%dma_wait3A_54 : memref<100000xf32, #tpu.memory_space<hbm>>) dst(%dma_wait3A_52 : memref<16xf32, #tpu.memory_space<vmem>>)
    %dma_start3A_55 = arith.constant 3 : i32
    %dma_start3A_56 = arith.constant 0 : i32
    %dma_start3A_57 = tpu.memref_slice %arg8[%dma_start3A_55, %dma_start3A_56] : memref<5x16xf32, #tpu.memory_space<vmem>> -> memref<1x16xf32, #tpu.memory_space<vmem>>
    %dma_start3A_58 = tpu.memref_squeeze %dma_start3A_57 : memref<1x16xf32, #tpu.memory_space<vmem>> -> memref<16xf32, #tpu.memory_space<vmem>>
    %dma_start3A_59 = arith.constant 0 : i32
    %dma_start3A_60 = tpu.memref_slice %arg4[%dma_start3A_59] : memref<100000xf32, #tpu.memory_space<hbm>> -> memref<100000xf32, #tpu.memory_space<hbm>>
    tpu.enqueue_indirect_dma source(%dma_start3A_60 : memref<100000xf32, #tpu.memory_space<hbm>>) target(%dma_start3A_58 : memref<16xf32, #tpu.memory_space<vmem>>) offsets(%scan3A_19#8 : vector<16xi32>) semaphore(%arg10 : memref<!tpu.dma_semaphore, #tpu.memory_space<semaphore_mem>>)
    %dma_wait3A_61 = arith.constant 3 : i32
    %dma_wait3A_62 = arith.constant 0 : i32
    %dma_wait3A_63 = tpu.memref_slice %arg8[%dma_wait3A_61, %dma_wait3A_62] : memref<5x16xf32, #tpu.memory_space<vmem>> -> memref<1x16xf32, #tpu.memory_space<vmem>>
    %dma_wait3A_64 = tpu.memref_squeeze %dma_wait3A_63 : memref<1x16xf32, #tpu.memory_space<vmem>> -> memref<16xf32, #tpu.memory_space<vmem>>
    %dma_wait3A_65 = arith.constant 0 : i32
    %dma_wait3A_66 = tpu.memref_slice %arg4[%dma_wait3A_65] : memref<100000xf32, #tpu.memory_space<hbm>> -> memref<100000xf32, #tpu.memory_space<hbm>>
    tpu.wait_indirect_dma semaphore(%arg10 : memref<!tpu.dma_semaphore, #tpu.memory_space<semaphore_mem>>) src(%dma_wait3A_66 : memref<100000xf32, #tpu.memory_space<hbm>>) dst(%dma_wait3A_64 : memref<16xf32, #tpu.memory_space<vmem>>)
    %dma_start3A_67 = arith.constant 4 : i32
    %dma_start3A_68 = arith.constant 0 : i32
    %dma_start3A_69 = tpu.memref_slice %arg8[%dma_start3A_67, %dma_start3A_68] : memref<5x16xf32, #tpu.memory_space<vmem>> -> memref<1x16xf32, #tpu.memory_space<vmem>>
    %dma_start3A_70 = tpu.memref_squeeze %dma_start3A_69 : memref<1x16xf32, #tpu.memory_space<vmem>> -> memref<16xf32, #tpu.memory_space<vmem>>
    %dma_start3A_71 = arith.constant 0 : i32
    %dma_start3A_72 = tpu.memref_slice %arg4[%dma_start3A_71] : memref<100000xf32, #tpu.memory_space<hbm>> -> memref<100000xf32, #tpu.memory_space<hbm>>
    tpu.enqueue_indirect_dma source(%dma_start3A_72 : memref<100000xf32, #tpu.memory_space<hbm>>) target(%dma_start3A_70 : memref<16xf32, #tpu.memory_space<vmem>>) offsets(%scan3A_19#9 : vector<16xi32>) semaphore(%arg10 : memref<!tpu.dma_semaphore, #tpu.memory_space<semaphore_mem>>)
    %dma_wait3A_73 = arith.constant 4 : i32
    %dma_wait3A_74 = arith.constant 0 : i32
    %dma_wait3A_75 = tpu.memref_slice %arg8[%dma_wait3A_73, %dma_wait3A_74] : memref<5x16xf32, #tpu.memory_space<vmem>> -> memref<1x16xf32, #tpu.memory_space<vmem>>
    %dma_wait3A_76 = tpu.memref_squeeze %dma_wait3A_75 : memref<1x16xf32, #tpu.memory_space<vmem>> -> memref<16xf32, #tpu.memory_space<vmem>>
    %dma_wait3A_77 = arith.constant 0 : i32
    %dma_wait3A_78 = tpu.memref_slice %arg4[%dma_wait3A_77] : memref<100000xf32, #tpu.memory_space<hbm>> -> memref<100000xf32, #tpu.memory_space<hbm>>
    tpu.wait_indirect_dma semaphore(%arg10 : memref<!tpu.dma_semaphore, #tpu.memory_space<semaphore_mem>>) src(%dma_wait3A_78 : memref<100000xf32, #tpu.memory_space<hbm>>) dst(%dma_wait3A_76 : memref<16xf32, #tpu.memory_space<vmem>>)
    %get3A = arith.constant 0 : i32
    %get3A_79 = arith.index_cast %get3A : i32 to index
    %get3A_80 = arith.constant 0 : index
    %get3A_81 = tpu.vector_load %arg8[%get3A_79, %get3A_80] {strides = array<i32>} : memref<5x16xf32, #tpu.memory_space<vmem>>, vector<1x16xf32>,
    %get3A_82 = vector.shape_cast %get3A_81 : vector<1x16xf32> to vector<16xf32>
    %get3A_83 = arith.constant 1 : i32
    %get3A_84 = arith.index_cast %get3A_83 : i32 to index
    %get3A_85 = arith.constant 0 : index
    %get3A_86 = tpu.vector_load %arg8[%get3A_84, %get3A_85] {strides = array<i32>} : memref<5x16xf32, #tpu.memory_space<vmem>>, vector<1x16xf32>,
    %get3A_87 = vector.shape_cast %get3A_86 : vector<1x16xf32> to vector<16xf32>
    %add3A_88 = arith.addf %get3A_82, %get3A_87 : vector<16xf32>
    %get3A_89 = arith.constant 2 : i32
    %get3A_90 = arith.index_cast %get3A_89 : i32 to index
    %get3A_91 = arith.constant 0 : index
    %get3A_92 = tpu.vector_load %arg8[%get3A_90, %get3A_91] {strides = array<i32>} : memref<5x16xf32, #tpu.memory_space<vmem>>, vector<1x16xf32>,
    %get3A_93 = vector.shape_cast %get3A_92 : vector<1x16xf32> to vector<16xf32>
    %add3A_94 = arith.addf %add3A_88, %get3A_93 : vector<16xf32>
    %get3A_95 = arith.constant 3 : i32
    %get3A_96 = arith.index_cast %get3A_95 : i32 to index
    %get3A_97 = arith.constant 0 : index
    %get3A_98 = tpu.vector_load %arg8[%get3A_96, %get3A_97] {strides = array<i32>} : memref<5x16xf32, #tpu.memory_space<vmem>>, vector<1x16xf32>,
    %get3A_99 = vector.shape_cast %get3A_98 : vector<1x16xf32> to vector<16xf32>
    %add3A_100 = arith.addf %add3A_94, %get3A_99 : vector<16xf32>
    %get3A_101 = arith.constant 4 : i32
    %get3A_102 = arith.index_cast %get3A_101 : i32 to index
    %get3A_103 = arith.constant 0 : index
    %get3A_104 = tpu.vector_load %arg8[%get3A_102, %get3A_103] {strides = array<i32>} : memref<5x16xf32, #tpu.memory_space<vmem>>, vector<1x16xf32>,
    %get3A_105 = vector.shape_cast %get3A_104 : vector<1x16xf32> to vector<16xf32>
    %add3A_106 = arith.addf %add3A_100, %get3A_105 : vector<16xf32>
    %mul3A_107 = arith.constant 2.000000e-01 : f32
    %mul3A_108 = vector.broadcast %mul3A_107 : f32 to vector<16xf32>
    %mul3A_109 = arith.mulf %add3A_106, %mul3A_108 : vector<16xf32>
    %swap3A = arith.constant 0 : index
    %swap3A_110 = tpu.vector_load %arg9[%swap3A] {strides = array<i32>} : memref<16xf32, #tpu.memory_space<vmem>>, vector<16xf32>,
    %swap3A_111 = vector.shape_cast %swap3A_110 : vector<16xf32> to vector<16xf32>
    %swap3A_112 = vector.shape_cast %mul3A_109 : vector<16xf32> to vector<16xf32>
    tpu.vector_store %arg9[%swap3A], %swap3A_112 {strides = array<i32>} : memref<16xf32, #tpu.memory_space<vmem>>, vector<16xf32>,
    %mul3A_113 = arith.constant 16 : i32
    %mul3A_114 = arith.muli %add3A_4, %mul3A_113 : i32
    "tpu.region"() ({
      %run_scoped3A = tpu.sem_alloc : memref<!tpu.dma_semaphore, #tpu.memory_space<semaphore_mem>>
      %dma_start3A_235 = tpu.memref_slice %arg5[%mul3A_114] : memref<1024xf32, #tpu.memory_space<hbm>> -> memref<16xf32, #tpu.memory_space<hbm>>
      %dma_start3A_236 = tpu.memref_slice %arg5[%mul3A_114] : memref<1024xf32, #tpu.memory_space<hbm>> -> memref<16xf32, #tpu.memory_space<hbm>>
      tpu.enqueue_dma source(%arg9 : memref<16xf32, #tpu.memory_space<vmem>>) target(%dma_start3A_236 : memref<16xf32, #tpu.memory_space<hbm>>) target_semaphore(%run_scoped3A : memref<!tpu.dma_semaphore, #tpu.memory_space<semaphore_mem>>)
      %dma_wait3A_237 = tpu.memref_slice %arg5[%mul3A_114] : memref<1024xf32, #tpu.memory_space<hbm>> -> memref<16xf32, #tpu.memory_space<hbm>>
      %dma_wait3A_238 = tpu.memref_slice %arg5[%mul3A_114] : memref<1024xf32, #tpu.memory_space<hbm>> -> memref<16xf32, #tpu.memory_space<hbm>>
      tpu.wait_dma2 semaphore(%run_scoped3A : memref<!tpu.dma_semaphore, #tpu.memory_space<semaphore_mem>>) src(%arg9 : memref<16xf32, #tpu.memory_space<vmem>>) dst(%dma_wait3A_238 : memref<16xf32, #tpu.memory_space<hbm>>)
      tpu.yield
    }) : () -> ()
    %mul3A_115 = arith.constant 2 : i32
    %mul3A_116 = arith.muli %add3A, %mul3A_115 : i32
    %add3A_117 = arith.constant 1 : i32
    %add3A_118 = arith.addi %mul3A_116, %add3A_117 : i32
    %mul3A_119 = arith.constant 64 : i32
    %mul3A_120 = arith.muli %add3A_118, %mul3A_119 : i32
    %mul3A_121 = arith.constant 16 : i32
    %mul3A_122 = arith.muli %mul3A_120, %mul3A_121 : i32
    "tpu.region"() ({
      %run_scoped3A = tpu.sem_alloc : memref<!tpu.dma_semaphore, #tpu.memory_space<semaphore_mem>>
      %dma_start3A_235 = tpu.memref_slice %arg2[%mul3A_122] : memref<65536xf32, #tpu.memory_space<hbm>> -> memref<1024xf32, #tpu.memory_space<hbm>>
      %dma_start3A_236 = tpu.memref_slice %arg2[%mul3A_122] : memref<65536xf32, #tpu.memory_space<hbm>> -> memref<1024xf32, #tpu.memory_space<hbm>>
      tpu.enqueue_dma source(%dma_start3A_236 : memref<1024xf32, #tpu.memory_space<hbm>>) target(%arg6 : memref<1024xf32, #tpu.memory_space<vmem>>) target_semaphore(%run_scoped3A : memref<!tpu.dma_semaphore, #tpu.memory_space<semaphore_mem>>)
      %dma_wait3A_237 = tpu.memref_slice %arg2[%mul3A_122] : memref<65536xf32, #tpu.memory_space<hbm>> -> memref<1024xf32, #tpu.memory_space<hbm>>
      %dma_wait3A_238 = tpu.memref_slice %arg2[%mul3A_122] : memref<65536xf32, #tpu.memory_space<hbm>> -> memref<1024xf32, #tpu.memory_space<hbm>>
      tpu.wait_dma2 semaphore(%run_scoped3A : memref<!tpu.dma_semaphore, #tpu.memory_space<semaphore_mem>>) src(%dma_wait3A_238 : memref<1024xf32, #tpu.memory_space<hbm>>) dst(%arg6 : memref<1024xf32, #tpu.memory_space<vmem>>)
      tpu.yield
    }) : () -> ()
    %mul3A_123 = arith.constant 64 : i32
    %mul3A_124 = arith.muli %add3A_118, %mul3A_123 : i32
    %mul3A_125 = arith.constant 16 : i32
    %mul3A_126 = arith.muli %mul3A_124, %mul3A_125 : i32
    "tpu.region"() ({
      %run_scoped3A = tpu.sem_alloc : memref<!tpu.dma_semaphore, #tpu.memory_space<semaphore_mem>>
      %dma_start3A_235 = tpu.memref_slice %arg3[%mul3A_126] : memref<65536xi32, #tpu.memory_space<hbm>> -> memref<1024xi32, #tpu.memory_space<hbm>>
      %dma_start3A_236 = tpu.memref_slice %arg3[%mul3A_126] : memref<65536xi32, #tpu.memory_space<hbm>> -> memref<1024xi32, #tpu.memory_space<hbm>>
      tpu.enqueue_dma source(%dma_start3A_236 : memref<1024xi32, #tpu.memory_space<hbm>>) target(%arg7 : memref<1024xi32, #tpu.memory_space<vmem>>) target_semaphore(%run_scoped3A : memref<!tpu.dma_semaphore, #tpu.memory_space<semaphore_mem>>)
      %dma_wait3A_237 = tpu.memref_slice %arg3[%mul3A_126] : memref<65536xi32, #tpu.memory_space<hbm>> -> memref<1024xi32, #tpu.memory_space<hbm>>
      %dma_wait3A_238 = tpu.memref_slice %arg3[%mul3A_126] : memref<65536xi32, #tpu.memory_space<hbm>> -> memref<1024xi32, #tpu.memory_space<hbm>>
      tpu.wait_dma2 semaphore(%run_scoped3A : memref<!tpu.dma_semaphore, #tpu.memory_space<semaphore_mem>>) src(%dma_wait3A_238 : memref<1024xi32, #tpu.memory_space<hbm>>) dst(%arg7 : memref<1024xi32, #tpu.memory_space<vmem>>)
      tpu.yield
    }) : () -> ()
    %broadcast_in_dim3A_127 = arith.constant 0x7F800000 : f32
    %broadcast_in_dim3A_128 = vector.broadcast %broadcast_in_dim3A_127 : f32 to vector<16xf32>
    %broadcast_in_dim3A_129 = arith.constant 0 : i32
    %broadcast_in_dim3A_130 = vector.broadcast %broadcast_in_dim3A_129 : i32 to vector<16xi32>
    %scan3A_131 = arith.constant 0 : i32
    %scan3A_132 = arith.constant 64 : i32
    %scan3A_133 = arith.addi %scan3A_131, %scan3A_132 : i32
    %scan3A_134 = arith.constant 1 : i32
    %scan3A_135:10 = scf.for %scan3A_235 = %scan3A_131 to %scan3A_133 step %scan3A_134 iter_args(%scan3A_236 = %broadcast_in_dim3A_128, %scan3A_237 = %broadcast_in_dim3A_128, %scan3A_238 = %broadcast_in_dim3A_128, %scan3A_239 = %broadcast_in_dim3A_128, %scan3A_240 = %broadcast_in_dim3A_128, %scan3A_241 = %broadcast_in_dim3A_130, %scan3A_242 = %broadcast_in_dim3A_130, %scan3A_243 = %broadcast_in_dim3A_130, %scan3A_244 = %broadcast_in_dim3A_130, %scan3A_245 = %broadcast_in_dim3A_130) -> (vector<16xf32>, vector<16xf32>, vector<16xf32>, vector<16xf32>, vector<16xf32>, vector<16xi32>, vector<16xi32>, vector<16xi32>, vector<16xi32>, vector<16xi32>)  : i32 {
      %mul3A_246 = arith.constant 16 : i32
      %mul3A_247 = arith.muli %scan3A_235, %mul3A_246 : i32
      %get3A_248 = arith.index_cast %mul3A_247 : i32 to index
      %get3A_249 = tpu.vector_load %arg6[%get3A_248] {strides = array<i32>} : memref<1024xf32, #tpu.memory_space<vmem>>, vector<16xf32>,
      %get3A_250 = vector.shape_cast %get3A_249 : vector<16xf32> to vector<16xf32>
      %mul3A_251 = arith.constant 16 : i32
      %mul3A_252 = arith.muli %scan3A_235, %mul3A_251 : i32
      %get3A_253 = arith.index_cast %mul3A_252 : i32 to index
      %get3A_254 = tpu.vector_load %arg7[%get3A_253] {strides = array<i32>} : memref<1024xi32, #tpu.memory_space<vmem>>, vector<16xi32>,
      %get3A_255 = vector.shape_cast %get3A_254 : vector<16xi32> to vector<16xi32>
      %lt3A = arith.cmpf olt, %get3A_250, %scan3A_236 : vector<16xf32>
      %select_n3A = arith.select %lt3A, %get3A_250, %scan3A_236 : vector<16xi1>, vector<16xf32>
      %select_n3A_256 = arith.select %lt3A, %get3A_255, %scan3A_241 : vector<16xi1>, vector<16xi32>
      %select_n3A_257 = arith.select %lt3A, %scan3A_236, %get3A_250 : vector<16xi1>, vector<16xf32>
      %select_n3A_258 = arith.select %lt3A, %scan3A_241, %get3A_255 : vector<16xi1>, vector<16xi32>
      %lt3A_259 = arith.cmpf olt, %select_n3A_257, %scan3A_237 : vector<16xf32>
      %select_n3A_260 = arith.select %lt3A_259, %select_n3A_257, %scan3A_237 : vector<16xi1>, vector<16xf32>
      %select_n3A_261 = arith.select %lt3A_259, %select_n3A_258, %scan3A_242 : vector<16xi1>, vector<16xi32>
      %select_n3A_262 = arith.select %lt3A_259, %scan3A_237, %select_n3A_257 : vector<16xi1>, vector<16xf32>
      %select_n3A_263 = arith.select %lt3A_259, %scan3A_242, %select_n3A_258 : vector<16xi1>, vector<16xi32>
      %lt3A_264 = arith.cmpf olt, %select_n3A_262, %scan3A_238 : vector<16xf32>
      %select_n3A_265 = arith.select %lt3A_264, %select_n3A_262, %scan3A_238 : vector<16xi1>, vector<16xf32>
      %select_n3A_266 = arith.select %lt3A_264, %select_n3A_263, %scan3A_243 : vector<16xi1>, vector<16xi32>
      %select_n3A_267 = arith.select %lt3A_264, %scan3A_238, %select_n3A_262 : vector<16xi1>, vector<16xf32>
      %select_n3A_268 = arith.select %lt3A_264, %scan3A_243, %select_n3A_263 : vector<16xi1>, vector<16xi32>
      %lt3A_269 = arith.cmpf olt, %select_n3A_267, %scan3A_239 : vector<16xf32>
      %select_n3A_270 = arith.select %lt3A_269, %select_n3A_267, %scan3A_239 : vector<16xi1>, vector<16xf32>
      %select_n3A_271 = arith.select %lt3A_269, %select_n3A_268, %scan3A_244 : vector<16xi1>, vector<16xi32>
      %select_n3A_272 = arith.select %lt3A_269, %scan3A_239, %select_n3A_267 : vector<16xi1>, vector<16xf32>
      %select_n3A_273 = arith.select %lt3A_269, %scan3A_244, %select_n3A_268 : vector<16xi1>, vector<16xi32>
      %lt3A_274 = arith.cmpf olt, %select_n3A_272, %scan3A_240 : vector<16xf32>
      %select_n3A_275 = arith.select %lt3A_274, %select_n3A_272, %scan3A_240 : vector<16xi1>, vector<16xf32>
      %select_n3A_276 = arith.select %lt3A_274, %select_n3A_273, %scan3A_245 : vector<16xi1>, vector<16xi32>
      %select_n3A_277 = arith.select %lt3A_274, %scan3A_240, %select_n3A_272 : vector<16xi1>, vector<16xf32>
      %select_n3A_278 = arith.select %lt3A_274, %scan3A_245, %select_n3A_273 : vector<16xi1>, vector<16xi32>
      scf.yield %select_n3A, %select_n3A_260, %select_n3A_265, %select_n3A_270, %select_n3A_275, %select_n3A_256, %select_n3A_261, %select_n3A_266, %select_n3A_271, %select_n3A_276 : vector<16xf32>, vector<16xf32>, vector<16xf32>, vector<16xf32>, vector<16xf32>, vector<16xi32>, vector<16xi32>, vector<16xi32>, vector<16xi32>, vector<16xi32>
    }
    %scan3A_136 = arith.constant 64 : i32
    %dma_start3A_137 = arith.constant 0 : i32
    %dma_start3A_138 = arith.constant 0 : i32
    %dma_start3A_139 = tpu.memref_slice %arg8[%dma_start3A_137, %dma_start3A_138] : memref<5x16xf32, #tpu.memory_space<vmem>> -> memref<1x16xf32, #tpu.memory_space<vmem>>
    %dma_start3A_140 = tpu.memref_squeeze %dma_start3A_139 : memref<1x16xf32, #tpu.memory_space<vmem>> -> memref<16xf32, #tpu.memory_space<vmem>>
    %dma_start3A_141 = arith.constant 0 : i32
    %dma_start3A_142 = tpu.memref_slice %arg4[%dma_start3A_141] : memref<100000xf32, #tpu.memory_space<hbm>> -> memref<100000xf32, #tpu.memory_space<hbm>>
    tpu.enqueue_indirect_dma source(%dma_start3A_142 : memref<100000xf32, #tpu.memory_space<hbm>>) target(%dma_start3A_140 : memref<16xf32, #tpu.memory_space<vmem>>) offsets(%scan3A_135#5 : vector<16xi32>) semaphore(%arg10 : memref<!tpu.dma_semaphore, #tpu.memory_space<semaphore_mem>>)
    %dma_wait3A_143 = arith.constant 0 : i32
    %dma_wait3A_144 = arith.constant 0 : i32
    %dma_wait3A_145 = tpu.memref_slice %arg8[%dma_wait3A_143, %dma_wait3A_144] : memref<5x16xf32, #tpu.memory_space<vmem>> -> memref<1x16xf32, #tpu.memory_space<vmem>>
    %dma_wait3A_146 = tpu.memref_squeeze %dma_wait3A_145 : memref<1x16xf32, #tpu.memory_space<vmem>> -> memref<16xf32, #tpu.memory_space<vmem>>
    %dma_wait3A_147 = arith.constant 0 : i32
    %dma_wait3A_148 = tpu.memref_slice %arg4[%dma_wait3A_147] : memref<100000xf32, #tpu.memory_space<hbm>> -> memref<100000xf32, #tpu.memory_space<hbm>>
    tpu.wait_indirect_dma semaphore(%arg10 : memref<!tpu.dma_semaphore, #tpu.memory_space<semaphore_mem>>) src(%dma_wait3A_148 : memref<100000xf32, #tpu.memory_space<hbm>>) dst(%dma_wait3A_146 : memref<16xf32, #tpu.memory_space<vmem>>)
    %dma_start3A_149 = arith.constant 1 : i32
    %dma_start3A_150 = arith.constant 0 : i32
    %dma_start3A_151 = tpu.memref_slice %arg8[%dma_start3A_149, %dma_start3A_150] : memref<5x16xf32, #tpu.memory_space<vmem>> -> memref<1x16xf32, #tpu.memory_space<vmem>>
    %dma_start3A_152 = tpu.memref_squeeze %dma_start3A_151 : memref<1x16xf32, #tpu.memory_space<vmem>> -> memref<16xf32, #tpu.memory_space<vmem>>
    %dma_start3A_153 = arith.constant 0 : i32
    %dma_start3A_154 = tpu.memref_slice %arg4[%dma_start3A_153] : memref<100000xf32, #tpu.memory_space<hbm>> -> memref<100000xf32, #tpu.memory_space<hbm>>
    tpu.enqueue_indirect_dma source(%dma_start3A_154 : memref<100000xf32, #tpu.memory_space<hbm>>) target(%dma_start3A_152 : memref<16xf32, #tpu.memory_space<vmem>>) offsets(%scan3A_135#6 : vector<16xi32>) semaphore(%arg10 : memref<!tpu.dma_semaphore, #tpu.memory_space<semaphore_mem>>)
    %dma_wait3A_155 = arith.constant 1 : i32
    %dma_wait3A_156 = arith.constant 0 : i32
    %dma_wait3A_157 = tpu.memref_slice %arg8[%dma_wait3A_155, %dma_wait3A_156] : memref<5x16xf32, #tpu.memory_space<vmem>> -> memref<1x16xf32, #tpu.memory_space<vmem>>
    %dma_wait3A_158 = tpu.memref_squeeze %dma_wait3A_157 : memref<1x16xf32, #tpu.memory_space<vmem>> -> memref<16xf32, #tpu.memory_space<vmem>>
    %dma_wait3A_159 = arith.constant 0 : i32
    %dma_wait3A_160 = tpu.memref_slice %arg4[%dma_wait3A_159] : memref<100000xf32, #tpu.memory_space<hbm>> -> memref<100000xf32, #tpu.memory_space<hbm>>
    tpu.wait_indirect_dma semaphore(%arg10 : memref<!tpu.dma_semaphore, #tpu.memory_space<semaphore_mem>>) src(%dma_wait3A_160 : memref<100000xf32, #tpu.memory_space<hbm>>) dst(%dma_wait3A_158 : memref<16xf32, #tpu.memory_space<vmem>>)
    %dma_start3A_161 = arith.constant 2 : i32
    %dma_start3A_162 = arith.constant 0 : i32
    %dma_start3A_163 = tpu.memref_slice %arg8[%dma_start3A_161, %dma_start3A_162] : memref<5x16xf32, #tpu.memory_space<vmem>> -> memref<1x16xf32, #tpu.memory_space<vmem>>
    %dma_start3A_164 = tpu.memref_squeeze %dma_start3A_163 : memref<1x16xf32, #tpu.memory_space<vmem>> -> memref<16xf32, #tpu.memory_space<vmem>>
    %dma_start3A_165 = arith.constant 0 : i32
    %dma_start3A_166 = tpu.memref_slice %arg4[%dma_start3A_165] : memref<100000xf32, #tpu.memory_space<hbm>> -> memref<100000xf32, #tpu.memory_space<hbm>>
    tpu.enqueue_indirect_dma source(%dma_start3A_166 : memref<100000xf32, #tpu.memory_space<hbm>>) target(%dma_start3A_164 : memref<16xf32, #tpu.memory_space<vmem>>) offsets(%scan3A_135#7 : vector<16xi32>) semaphore(%arg10 : memref<!tpu.dma_semaphore, #tpu.memory_space<semaphore_mem>>)
    %dma_wait3A_167 = arith.constant 2 : i32
    %dma_wait3A_168 = arith.constant 0 : i32
    %dma_wait3A_169 = tpu.memref_slice %arg8[%dma_wait3A_167, %dma_wait3A_168] : memref<5x16xf32, #tpu.memory_space<vmem>> -> memref<1x16xf32, #tpu.memory_space<vmem>>
    %dma_wait3A_170 = tpu.memref_squeeze %dma_wait3A_169 : memref<1x16xf32, #tpu.memory_space<vmem>> -> memref<16xf32, #tpu.memory_space<vmem>>
    %dma_wait3A_171 = arith.constant 0 : i32
    %dma_wait3A_172 = tpu.memref_slice %arg4[%dma_wait3A_171] : memref<100000xf32, #tpu.memory_space<hbm>> -> memref<100000xf32, #tpu.memory_space<hbm>>
    tpu.wait_indirect_dma semaphore(%arg10 : memref<!tpu.dma_semaphore, #tpu.memory_space<semaphore_mem>>) src(%dma_wait3A_172 : memref<100000xf32, #tpu.memory_space<hbm>>) dst(%dma_wait3A_170 : memref<16xf32, #tpu.memory_space<vmem>>)
    %dma_start3A_173 = arith.constant 3 : i32
    %dma_start3A_174 = arith.constant 0 : i32
    %dma_start3A_175 = tpu.memref_slice %arg8[%dma_start3A_173, %dma_start3A_174] : memref<5x16xf32, #tpu.memory_space<vmem>> -> memref<1x16xf32, #tpu.memory_space<vmem>>
    %dma_start3A_176 = tpu.memref_squeeze %dma_start3A_175 : memref<1x16xf32, #tpu.memory_space<vmem>> -> memref<16xf32, #tpu.memory_space<vmem>>
    %dma_start3A_177 = arith.constant 0 : i32
    %dma_start3A_178 = tpu.memref_slice %arg4[%dma_start3A_177] : memref<100000xf32, #tpu.memory_space<hbm>> -> memref<100000xf32, #tpu.memory_space<hbm>>
    tpu.enqueue_indirect_dma source(%dma_start3A_178 : memref<100000xf32, #tpu.memory_space<hbm>>) target(%dma_start3A_176 : memref<16xf32, #tpu.memory_space<vmem>>) offsets(%scan3A_135#8 : vector<16xi32>) semaphore(%arg10 : memref<!tpu.dma_semaphore, #tpu.memory_space<semaphore_mem>>)
    %dma_wait3A_179 = arith.constant 3 : i32
    %dma_wait3A_180 = arith.constant 0 : i32
    %dma_wait3A_181 = tpu.memref_slice %arg8[%dma_wait3A_179, %dma_wait3A_180] : memref<5x16xf32, #tpu.memory_space<vmem>> -> memref<1x16xf32, #tpu.memory_space<vmem>>
    %dma_wait3A_182 = tpu.memref_squeeze %dma_wait3A_181 : memref<1x16xf32, #tpu.memory_space<vmem>> -> memref<16xf32, #tpu.memory_space<vmem>>
    %dma_wait3A_183 = arith.constant 0 : i32
    %dma_wait3A_184 = tpu.memref_slice %arg4[%dma_wait3A_183] : memref<100000xf32, #tpu.memory_space<hbm>> -> memref<100000xf32, #tpu.memory_space<hbm>>
    tpu.wait_indirect_dma semaphore(%arg10 : memref<!tpu.dma_semaphore, #tpu.memory_space<semaphore_mem>>) src(%dma_wait3A_184 : memref<100000xf32, #tpu.memory_space<hbm>>) dst(%dma_wait3A_182 : memref<16xf32, #tpu.memory_space<vmem>>)
    %dma_start3A_185 = arith.constant 4 : i32
    %dma_start3A_186 = arith.constant 0 : i32
    %dma_start3A_187 = tpu.memref_slice %arg8[%dma_start3A_185, %dma_start3A_186] : memref<5x16xf32, #tpu.memory_space<vmem>> -> memref<1x16xf32, #tpu.memory_space<vmem>>
    %dma_start3A_188 = tpu.memref_squeeze %dma_start3A_187 : memref<1x16xf32, #tpu.memory_space<vmem>> -> memref<16xf32, #tpu.memory_space<vmem>>
    %dma_start3A_189 = arith.constant 0 : i32
    %dma_start3A_190 = tpu.memref_slice %arg4[%dma_start3A_189] : memref<100000xf32, #tpu.memory_space<hbm>> -> memref<100000xf32, #tpu.memory_space<hbm>>
    tpu.enqueue_indirect_dma source(%dma_start3A_190 : memref<100000xf32, #tpu.memory_space<hbm>>) target(%dma_start3A_188 : memref<16xf32, #tpu.memory_space<vmem>>) offsets(%scan3A_135#9 : vector<16xi32>) semaphore(%arg10 : memref<!tpu.dma_semaphore, #tpu.memory_space<semaphore_mem>>)
    %dma_wait3A_191 = arith.constant 4 : i32
    %dma_wait3A_192 = arith.constant 0 : i32
    %dma_wait3A_193 = tpu.memref_slice %arg8[%dma_wait3A_191, %dma_wait3A_192] : memref<5x16xf32, #tpu.memory_space<vmem>> -> memref<1x16xf32, #tpu.memory_space<vmem>>
    %dma_wait3A_194 = tpu.memref_squeeze %dma_wait3A_193 : memref<1x16xf32, #tpu.memory_space<vmem>> -> memref<16xf32, #tpu.memory_space<vmem>>
    %dma_wait3A_195 = arith.constant 0 : i32
    %dma_wait3A_196 = tpu.memref_slice %arg4[%dma_wait3A_195] : memref<100000xf32, #tpu.memory_space<hbm>> -> memref<100000xf32, #tpu.memory_space<hbm>>
    tpu.wait_indirect_dma semaphore(%arg10 : memref<!tpu.dma_semaphore, #tpu.memory_space<semaphore_mem>>) src(%dma_wait3A_196 : memref<100000xf32, #tpu.memory_space<hbm>>) dst(%dma_wait3A_194 : memref<16xf32, #tpu.memory_space<vmem>>)
    %get3A_197 = arith.constant 0 : i32
    %get3A_198 = arith.index_cast %get3A_197 : i32 to index
    %get3A_199 = arith.constant 0 : index
    %get3A_200 = tpu.vector_load %arg8[%get3A_198, %get3A_199] {strides = array<i32>} : memref<5x16xf32, #tpu.memory_space<vmem>>, vector<1x16xf32>,
    %get3A_201 = vector.shape_cast %get3A_200 : vector<1x16xf32> to vector<16xf32>
    %get3A_202 = arith.constant 1 : i32
    %get3A_203 = arith.index_cast %get3A_202 : i32 to index
    %get3A_204 = arith.constant 0 : index
    %get3A_205 = tpu.vector_load %arg8[%get3A_203, %get3A_204] {strides = array<i32>} : memref<5x16xf32, #tpu.memory_space<vmem>>, vector<1x16xf32>,
    %get3A_206 = vector.shape_cast %get3A_205 : vector<1x16xf32> to vector<16xf32>
    %add3A_207 = arith.addf %get3A_201, %get3A_206 : vector<16xf32>
    %get3A_208 = arith.constant 2 : i32
    %get3A_209 = arith.index_cast %get3A_208 : i32 to index
    %get3A_210 = arith.constant 0 : index
    %get3A_211 = tpu.vector_load %arg8[%get3A_209, %get3A_210] {strides = array<i32>} : memref<5x16xf32, #tpu.memory_space<vmem>>, vector<1x16xf32>,
    %get3A_212 = vector.shape_cast %get3A_211 : vector<1x16xf32> to vector<16xf32>
    %add3A_213 = arith.addf %add3A_207, %get3A_212 : vector<16xf32>
    %get3A_214 = arith.constant 3 : i32
    %get3A_215 = arith.index_cast %get3A_214 : i32 to index
    %get3A_216 = arith.constant 0 : index
    %get3A_217 = tpu.vector_load %arg8[%get3A_215, %get3A_216] {strides = array<i32>} : memref<5x16xf32, #tpu.memory_space<vmem>>, vector<1x16xf32>,
    %get3A_218 = vector.shape_cast %get3A_217 : vector<1x16xf32> to vector<16xf32>
    %add3A_219 = arith.addf %add3A_213, %get3A_218 : vector<16xf32>
    %get3A_220 = arith.constant 4 : i32
    %get3A_221 = arith.index_cast %get3A_220 : i32 to index
    %get3A_222 = arith.constant 0 : index
    %get3A_223 = tpu.vector_load %arg8[%get3A_221, %get3A_222] {strides = array<i32>} : memref<5x16xf32, #tpu.memory_space<vmem>>, vector<1x16xf32>,
    %get3A_224 = vector.shape_cast %get3A_223 : vector<1x16xf32> to vector<16xf32>
    %add3A_225 = arith.addf %add3A_219, %get3A_224 : vector<16xf32>
    %mul3A_226 = arith.constant 2.000000e-01 : f32
    %mul3A_227 = vector.broadcast %mul3A_226 : f32 to vector<16xf32>
    %mul3A_228 = arith.mulf %add3A_225, %mul3A_227 : vector<16xf32>
    %swap3A_229 = arith.constant 0 : index
    %swap3A_230 = tpu.vector_load %arg9[%swap3A_229] {strides = array<i32>} : memref<16xf32, #tpu.memory_space<vmem>>, vector<16xf32>,
    %swap3A_231 = vector.shape_cast %swap3A_230 : vector<16xf32> to vector<16xf32>
    %swap3A_232 = vector.shape_cast %mul3A_228 : vector<16xf32> to vector<16xf32>
    tpu.vector_store %arg9[%swap3A_229], %swap3A_232 {strides = array<i32>} : memref<16xf32, #tpu.memory_space<vmem>>, vector<16xf32>,
    %mul3A_233 = arith.constant 16 : i32
    %mul3A_234 = arith.muli %add3A_118, %mul3A_233 : i32
    "tpu.region"() ({
      %run_scoped3A = tpu.sem_alloc : memref<!tpu.dma_semaphore, #tpu.memory_space<semaphore_mem>>
      %dma_start3A_235 = tpu.memref_slice %arg5[%mul3A_234] : memref<1024xf32, #tpu.memory_space<hbm>> -> memref<16xf32, #tpu.memory_space<hbm>>
      %dma_start3A_236 = tpu.memref_slice %arg5[%mul3A_234] : memref<1024xf32, #tpu.memory_space<hbm>> -> memref<16xf32, #tpu.memory_space<hbm>>
      tpu.enqueue_dma source(%arg9 : memref<16xf32, #tpu.memory_space<vmem>>) target(%dma_start3A_236 : memref<16xf32, #tpu.memory_space<hbm>>) target_semaphore(%run_scoped3A : memref<!tpu.dma_semaphore, #tpu.memory_space<semaphore_mem>>)
      %dma_wait3A_237 = tpu.memref_slice %arg5[%mul3A_234] : memref<1024xf32, #tpu.memory_space<hbm>> -> memref<16xf32, #tpu.memory_space<hbm>>
      %dma_wait3A_238 = tpu.memref_slice %arg5[%mul3A_234] : memref<1024xf32, #tpu.memory_space<hbm>> -> memref<16xf32, #tpu.memory_space<hbm>>
      tpu.wait_dma2 semaphore(%run_scoped3A : memref<!tpu.dma_semaphore, #tpu.memory_space<semaphore_mem>>) src(%arg9 : memref<16xf32, #tpu.memory_space<vmem>>) dst(%dma_wait3A_238 : memref<16xf32, #tpu.memory_space<hbm>>)
      tpu.yield
    }) : () -> ()
    return
  }
}

module attributes {stable_mosaic.version = 14 : i64} {
  func.func @_stage1(%arg0: i32, %arg1: i32, %arg2: memref<512x64xf32, #tpu.memory_space<vmem>>, %arg3: memref<512x1xf32, #tpu.memory_space<vmem>>, %arg4: memref<1x8704xf32, #tpu.memory_space<vmem>>, %arg5: memref<8704x64xf32, #tpu.memory_space<vmem>>, %arg6: memref<1x5x1024xf32, #tpu.memory_space<vmem>>, %arg7: memref<1x5x1024xi32, #tpu.memory_space<vmem>>, %arg8: memref<512x8704xf32, #tpu.memory_space<vmem>>, %arg9: memref<512x128xf32, #tpu.memory_space<vmem>>, %arg10: memref<512x128xi32, #tpu.memory_space<vmem>>) attributes {dimension_semantics = [#tpu.dimension_semantics<arbitrary>, #tpu.dimension_semantics<arbitrary>], iteration_bounds = array<i64: 12, 2>, scalar_prefetch = 0 : i64, scratch_operands = 3 : i64, tpu.core_type = #tpu.core_type<tc>, window_params = [{transform_indices = @transform_0, window_bounds = array<i64: 512, 64>}, {transform_indices = @transform_1, window_bounds = array<i64: 512, 1>}, {transform_indices = @transform_2, window_bounds = array<i64: 1, 8704>}, {transform_indices = @transform_3, window_bounds = array<i64: 8704, 64>}, {transform_indices = @transform_4, window_bounds = array<i64: 1, 5, 1024>}, {transform_indices = @transform_5, window_bounds = array<i64: 1, 5, 1024>}]} {
    %get3A = arith.constant 0 : index
    %get3A_0 = arith.constant 0 : index
    %get3A_1 = vector.load %arg2[%get3A, %get3A_0] : memref<512x64xf32, #tpu.memory_space<vmem>>, vector<512x64xf32>
    %get3A_2 = arith.constant 0 : index
    %get3A_3 = arith.constant 0 : index
    %get3A_4 = vector.load %arg5[%get3A_2, %get3A_3] : memref<8704x64xf32, #tpu.memory_space<vmem>>, vector<8704x64xf32>
    %dot_general3A = arith.constant dense<0.000000e+00> : vector<512x8704xf32>
    %dot_general3A_5 = tpu.matmul %get3A_1, %get3A_4, %dot_general3A {dimension_numbers = #tpu.dot_dimension_numbers<[1], [1], [0], [0], [0, 0, 1, 0], [], []>, transpose_lhs_hint = false} : vector<512x64xf32>, vector<8704x64xf32>, vector<512x8704xf32> -> vector<512x8704xf32>
    %get3A_6 = arith.constant 0 : index
    %get3A_7 = arith.constant 0 : index
    %get3A_8 = vector.load %arg3[%get3A_6, %get3A_7] : memref<512x1xf32, #tpu.memory_space<vmem>>, vector<512x1xf32>
    %get3A_9 = arith.constant 0 : index
    %get3A_10 = arith.constant 0 : index
    %get3A_11 = vector.load %arg4[%get3A_9, %get3A_10] : memref<1x8704xf32, #tpu.memory_space<vmem>>, vector<1x8704xf32>
    %add3A = vector.broadcast %get3A_8 : vector<512x1xf32> to vector<512x8704xf32>
    %add3A_12 = vector.broadcast %get3A_11 : vector<1x8704xf32> to vector<512x8704xf32>
    %add3A_13 = arith.addf %add3A, %add3A_12 : vector<512x8704xf32>
    %mul3A = arith.constant 2.000000e+00 : f32
    %mul3A_14 = vector.broadcast %mul3A : f32 to vector<512x8704xf32>
    %mul3A_15 = arith.mulf %mul3A_14, %dot_general3A_5 : vector<512x8704xf32>
    %sub3A = arith.subf %add3A_13, %mul3A_15 : vector<512x8704xf32>
    %swap3A = arith.constant 0 : index
    %swap3A_16 = arith.constant 0 : index
    %swap3A_17 = vector.load %arg8[%swap3A, %swap3A_16] : memref<512x8704xf32, #tpu.memory_space<vmem>>, vector<512x8704xf32>
    tpu.vector_store %arg8[%swap3A, %swap3A_16], %sub3A {strides = array<i32>} : memref<512x8704xf32, #tpu.memory_space<vmem>>, vector<512x8704xf32>,
    %broadcast_in_dim3A = arith.constant 0.000000e+00 : f32
    %broadcast_in_dim3A_18 = vector.broadcast %broadcast_in_dim3A : f32 to vector<512xf32>
    %broadcast_in_dim3A_19 = arith.constant 0 : i32
    %broadcast_in_dim3A_20 = vector.broadcast %broadcast_in_dim3A_19 : i32 to vector<512xi32>
    %neg3A = arith.constant 0.000000e+00 : f32
    %neg3A_21 = arith.constant 0x7F800000 : f32
    %neg3A_22 = arith.subf %neg3A, %neg3A_21 : f32
    %broadcast_in_dim3A_23 = vector.broadcast %neg3A_22 : f32 to vector<512xf32>
    %broadcast_in_dim3A_24 = arith.constant -1 : i32
    %broadcast_in_dim3A_25 = vector.broadcast %broadcast_in_dim3A_24 : i32 to vector<512xi32>
    %scan3A = arith.constant 0x7F800000 : f32
    %scan3A_26 = arith.constant 1073741824 : i32
    %scan3A_27 = arith.constant 0 : i32
    %scan3A_28 = arith.constant 5 : i32
    %scan3A_29 = arith.addi %scan3A_27, %scan3A_28 : i32
    %scan3A_30 = arith.constant 1 : i32
    %scan3A_31:12 = scf.for %scan3A_133 = %scan3A_27 to %scan3A_29 step %scan3A_30 iter_args(%scan3A_134 = %broadcast_in_dim3A_23, %scan3A_135 = %broadcast_in_dim3A_25, %scan3A_136 = %broadcast_in_dim3A_18, %scan3A_137 = %broadcast_in_dim3A_18, %scan3A_138 = %broadcast_in_dim3A_18, %scan3A_139 = %broadcast_in_dim3A_18, %scan3A_140 = %broadcast_in_dim3A_18, %scan3A_141 = %broadcast_in_dim3A_20, %scan3A_142 = %broadcast_in_dim3A_20, %scan3A_143 = %broadcast_in_dim3A_20, %scan3A_144 = %broadcast_in_dim3A_20, %scan3A_145 = %broadcast_in_dim3A_20) -> (vector<512xf32>, vector<512xi32>, vector<512xf32>, vector<512xf32>, vector<512xf32>, vector<512xf32>, vector<512xf32>, vector<512xi32>, vector<512xi32>, vector<512xi32>, vector<512xi32>, vector<512xi32>)  : i32 {
      %broadcast_in_dim3A_146 = vector.shape_cast %scan3A_134 : vector<512xf32> to vector<512x1xf32>
      %broadcast_in_dim3A_147 = vector.shape_cast %scan3A_135 : vector<512xi32> to vector<512x1xi32>
      %broadcast_in_dim3A_148 = vector.broadcast %scan3A : f32 to vector<512x128xf32>
      %swap3A_149 = arith.constant 0 : index
      %swap3A_150 = arith.constant 0 : index
      %swap3A_151 = vector.load %arg9[%swap3A_149, %swap3A_150] : memref<512x128xf32, #tpu.memory_space<vmem>>, vector<512x128xf32>
      tpu.vector_store %arg9[%swap3A_149, %swap3A_150], %broadcast_in_dim3A_148 {strides = array<i32>} : memref<512x128xf32, #tpu.memory_space<vmem>>, vector<512x128xf32>,
      %broadcast_in_dim3A_152 = vector.broadcast %scan3A_26 : i32 to vector<512x128xi32>
      %swap3A_153 = arith.constant 0 : index
      %swap3A_154 = arith.constant 0 : index
      %swap3A_155 = vector.load %arg10[%swap3A_153, %swap3A_154] : memref<512x128xi32, #tpu.memory_space<vmem>>, vector<512x128xi32>
      tpu.vector_store %arg10[%swap3A_153, %swap3A_154], %broadcast_in_dim3A_152 {strides = array<i32>} : memref<512x128xi32, #tpu.memory_space<vmem>>, vector<512x128xi32>,
      %scan3A_156 = arith.constant 0 : i32
      %scan3A_157 = arith.constant 68 : i32
      %scan3A_158 = arith.addi %scan3A_156, %scan3A_157 : i32
      %scan3A_159 = arith.constant 1 : i32
      scf.for %scan3A_203 = %scan3A_156 to %scan3A_158 step %scan3A_159  : i32 {
        %mul3A_204 = arith.constant 128 : i32
        %mul3A_205 = arith.muli %scan3A_203, %mul3A_204 : i32
        %multiple_of3A = tpu.assume_multiple %mul3A_205, 128 : i32
        %get3A_206 = arith.constant 0 : index
        %get3A_207 = arith.index_cast %multiple_of3A : i32 to index
        %get3A_208 = vector.load %arg8[%get3A_206, %get3A_207] : memref<512x8704xf32, #tpu.memory_space<vmem>>, vector<512x128xf32>
        %iota3A = tpu.iota {dimensions = array<i32: 1>} : vector<512x128xi32>
        %mul3A_209 = arith.constant 128 : i32
        %mul3A_210 = arith.muli %scan3A_203, %mul3A_209 : i32
        %add3A_211 = vector.broadcast %mul3A_210 : i32 to vector<512x128xi32>
        %add3A_212 = arith.addi %iota3A, %add3A_211 : vector<512x128xi32>
        %gt3A = vector.broadcast %broadcast_in_dim3A_146 : vector<512x1xf32> to vector<512x128xf32>
        %gt3A_213 = arith.cmpf ogt, %get3A_208, %gt3A : vector<512x128xf32>
        %eq3A_214 = vector.broadcast %broadcast_in_dim3A_146 : vector<512x1xf32> to vector<512x128xf32>
        %eq3A_215 = arith.cmpf oeq, %get3A_208, %eq3A_214 : vector<512x128xf32>
        %gt3A_216 = vector.broadcast %broadcast_in_dim3A_147 : vector<512x1xi32> to vector<512x128xi32>
        %gt3A_217 = arith.cmpi sgt, %add3A_212, %gt3A_216 : vector<512x128xi32>
        %and3A = arith.andi %eq3A_215, %gt3A_217 : vector<512x128xi1>
        %or3A = arith.ori %gt3A_213, %and3A : vector<512x128xi1>
        %get3A_218 = arith.constant 0 : index
        %get3A_219 = arith.constant 0 : index
        %get3A_220 = vector.load %arg9[%get3A_218, %get3A_219] : memref<512x128xf32, #tpu.memory_space<vmem>>, vector<512x128xf32>
        %lt3A = arith.cmpf olt, %get3A_208, %get3A_220 : vector<512x128xf32>
        %and3A_221 = arith.andi %or3A, %lt3A : vector<512x128xi1>
        %get3A_222 = arith.constant 0 : index
        %get3A_223 = arith.constant 0 : index
        %get3A_224 = vector.load %arg9[%get3A_222, %get3A_223] : memref<512x128xf32, #tpu.memory_space<vmem>>, vector<512x128xf32>
        %select_n3A_225 = arith.select %and3A_221, %get3A_208, %get3A_224 : vector<512x128xi1>, vector<512x128xf32>
        %swap3A_226 = arith.constant 0 : index
        %swap3A_227 = arith.constant 0 : index
        %swap3A_228 = vector.load %arg9[%swap3A_226, %swap3A_227] : memref<512x128xf32, #tpu.memory_space<vmem>>, vector<512x128xf32>
        tpu.vector_store %arg9[%swap3A_226, %swap3A_227], %select_n3A_225 {strides = array<i32>} : memref<512x128xf32, #tpu.memory_space<vmem>>, vector<512x128xf32>,
        %get3A_229 = arith.constant 0 : index
        %get3A_230 = arith.constant 0 : index
        %get3A_231 = vector.load %arg10[%get3A_229, %get3A_230] : memref<512x128xi32, #tpu.memory_space<vmem>>, vector<512x128xi32>
        %select_n3A_232 = arith.select %and3A_221, %add3A_212, %get3A_231 : vector<512x128xi1>, vector<512x128xi32>
        %swap3A_233 = arith.constant 0 : index
        %swap3A_234 = arith.constant 0 : index
        %swap3A_235 = vector.load %arg10[%swap3A_233, %swap3A_234] : memref<512x128xi32, #tpu.memory_space<vmem>>, vector<512x128xi32>
        tpu.vector_store %arg10[%swap3A_233, %swap3A_234], %select_n3A_232 {strides = array<i32>} : memref<512x128xi32, #tpu.memory_space<vmem>>, vector<512x128xi32>,
      }
      %scan3A_160 = arith.constant 68 : i32
      %get3A_161 = arith.constant 0 : index
      %get3A_162 = arith.constant 0 : index
      %get3A_163 = vector.load %arg9[%get3A_161, %get3A_162] : memref<512x128xf32, #tpu.memory_space<vmem>>, vector<512x128xf32>
      %reduce_min3A = arith.constant dense<0x7F800000> : vector<512xf32>
      %reduce_min3A_164 = vector.multi_reduction <minimumf>, %get3A_163, %reduce_min3A [1] : vector<512x128xf32> to vector<512xf32>
      %broadcast_in_dim3A_165 = vector.shape_cast %reduce_min3A_164 : vector<512xf32> to vector<512x1xf32>
      %eq3A = vector.broadcast %broadcast_in_dim3A_165 : vector<512x1xf32> to vector<512x128xf32>
      %eq3A_166 = arith.cmpf oeq, %get3A_163, %eq3A : vector<512x128xf32>
      %get3A_167 = arith.constant 0 : index
      %get3A_168 = arith.constant 0 : index
      %get3A_169 = vector.load %arg10[%get3A_167, %get3A_168] : memref<512x128xi32, #tpu.memory_space<vmem>>, vector<512x128xi32>
      %broadcast_in_dim3A_170 = vector.broadcast %scan3A_26 : i32 to vector<512x128xi32>
      %select_n3A = arith.select %eq3A_166, %get3A_169, %broadcast_in_dim3A_170 : vector<512x128xi1>, vector<512x128xi32>
      %reduce_min3A_171 = arith.constant dense<2147483647> : vector<512xi32>
      %reduce_min3A_172 = vector.multi_reduction <minsi>, %select_n3A, %reduce_min3A_171 [1] : vector<512x128xi32> to vector<512xi32>
      %eq3A_173 = arith.constant 0 : i32
      %eq3A_174 = arith.cmpi eq, %scan3A_133, %eq3A_173 : i32
      %select_n3A_175 = arith.select %eq3A_174, %reduce_min3A_164, %scan3A_136 : vector<512xf32>
      %eq3A_176 = arith.constant 1 : i32
      %eq3A_177 = arith.cmpi eq, %scan3A_133, %eq3A_176 : i32
      %select_n3A_178 = arith.select %eq3A_177, %reduce_min3A_164, %scan3A_137 : vector<512xf32>
      %eq3A_179 = arith.constant 2 : i32
      %eq3A_180 = arith.cmpi eq, %scan3A_133, %eq3A_179 : i32
      %select_n3A_181 = arith.select %eq3A_180, %reduce_min3A_164, %scan3A_138 : vector<512xf32>
      %eq3A_182 = arith.constant 3 : i32
      %eq3A_183 = arith.cmpi eq, %scan3A_133, %eq3A_182 : i32
      %select_n3A_184 = arith.select %eq3A_183, %reduce_min3A_164, %scan3A_139 : vector<512xf32>
      %eq3A_185 = arith.constant 4 : i32
      %eq3A_186 = arith.cmpi eq, %scan3A_133, %eq3A_185 : i32
      %select_n3A_187 = arith.select %eq3A_186, %reduce_min3A_164, %scan3A_140 : vector<512xf32>
      %eq3A_188 = arith.constant 0 : i32
      %eq3A_189 = arith.cmpi eq, %scan3A_133, %eq3A_188 : i32
      %select_n3A_190 = arith.select %eq3A_189, %reduce_min3A_172, %scan3A_141 : vector<512xi32>
      %eq3A_191 = arith.constant 1 : i32
      %eq3A_192 = arith.cmpi eq, %scan3A_133, %eq3A_191 : i32
      %select_n3A_193 = arith.select %eq3A_192, %reduce_min3A_172, %scan3A_142 : vector<512xi32>
      %eq3A_194 = arith.constant 2 : i32
      %eq3A_195 = arith.cmpi eq, %scan3A_133, %eq3A_194 : i32
      %select_n3A_196 = arith.select %eq3A_195, %reduce_min3A_172, %scan3A_143 : vector<512xi32>
      %eq3A_197 = arith.constant 3 : i32
      %eq3A_198 = arith.cmpi eq, %scan3A_133, %eq3A_197 : i32
      %select_n3A_199 = arith.select %eq3A_198, %reduce_min3A_172, %scan3A_144 : vector<512xi32>
      %eq3A_200 = arith.constant 4 : i32
      %eq3A_201 = arith.cmpi eq, %scan3A_133, %eq3A_200 : i32
      %select_n3A_202 = arith.select %eq3A_201, %reduce_min3A_172, %scan3A_145 : vector<512xi32>
      scf.yield %reduce_min3A_164, %reduce_min3A_172, %select_n3A_175, %select_n3A_178, %select_n3A_181, %select_n3A_184, %select_n3A_187, %select_n3A_190, %select_n3A_193, %select_n3A_196, %select_n3A_199, %select_n3A_202 : vector<512xf32>, vector<512xi32>, vector<512xf32>, vector<512xf32>, vector<512xf32>, vector<512xf32>, vector<512xf32>, vector<512xi32>, vector<512xi32>, vector<512xi32>, vector<512xi32>, vector<512xi32>
    }
    %scan3A_32 = arith.constant 5 : i32
    %mul3A_33 = arith.constant 512 : i32
    %mul3A_34 = arith.muli %arg1, %mul3A_33 : i32
    %swap3A_35 = arith.constant 0 : index
    %swap3A_36 = arith.constant 0 : index
    %swap3A_37 = arith.index_cast %mul3A_34 : i32 to index
    %swap3A_38 = vector.load %arg6[%swap3A_35, %swap3A_36, %swap3A_37] : memref<1x5x1024xf32, #tpu.memory_space<vmem>>, vector<1x1x512xf32>
    %swap3A_39 = vector.shape_cast %swap3A_38 : vector<1x1x512xf32> to vector<512xf32>
    %swap3A_40 = vector.shape_cast %scan3A_31#2 : vector<512xf32> to vector<1x1x512xf32>
    tpu.vector_store %arg6[%swap3A_35, %swap3A_36, %swap3A_37], %swap3A_40 {strides = array<i32>} : memref<1x5x1024xf32, #tpu.memory_space<vmem>>, vector<1x1x512xf32>,
    %mul3A_41 = arith.constant 8704 : i32
    %mul3A_42 = arith.muli %arg0, %mul3A_41 : i32
    %add3A_43 = vector.broadcast %mul3A_42 : i32 to vector<512xi32>
    %add3A_44 = arith.addi %scan3A_31#7, %add3A_43 : vector<512xi32>
    %mul3A_45 = arith.constant 512 : i32
    %mul3A_46 = arith.muli %arg1, %mul3A_45 : i32
    %swap3A_47 = arith.constant 0 : index
    %swap3A_48 = arith.constant 0 : index
    %swap3A_49 = arith.index_cast %mul3A_46 : i32 to index
    %swap3A_50 = vector.load %arg7[%swap3A_47, %swap3A_48, %swap3A_49] : memref<1x5x1024xi32, #tpu.memory_space<vmem>>, vector<1x1x512xi32>
    %swap3A_51 = vector.shape_cast %swap3A_50 : vector<1x1x512xi32> to vector<512xi32>
    %swap3A_52 = vector.shape_cast %add3A_44 : vector<512xi32> to vector<1x1x512xi32>
    tpu.vector_store %arg7[%swap3A_47, %swap3A_48, %swap3A_49], %swap3A_52 {strides = array<i32>} : memref<1x5x1024xi32, #tpu.memory_space<vmem>>, vector<1x1x512xi32>,
    %mul3A_53 = arith.constant 512 : i32
    %mul3A_54 = arith.muli %arg1, %mul3A_53 : i32
    %swap3A_55 = arith.constant 0 : index
    %swap3A_56 = arith.constant 1 : index
    %swap3A_57 = arith.index_cast %mul3A_54 : i32 to index
    %swap3A_58 = vector.load %arg6[%swap3A_55, %swap3A_56, %swap3A_57] : memref<1x5x1024xf32, #tpu.memory_space<vmem>>, vector<1x1x512xf32>
    %swap3A_59 = vector.shape_cast %swap3A_58 : vector<1x1x512xf32> to vector<512xf32>
    %swap3A_60 = vector.shape_cast %scan3A_31#3 : vector<512xf32> to vector<1x1x512xf32>
    tpu.vector_store %arg6[%swap3A_55, %swap3A_56, %swap3A_57], %swap3A_60 {strides = array<i32>} : memref<1x5x1024xf32, #tpu.memory_space<vmem>>, vector<1x1x512xf32>,
    %mul3A_61 = arith.constant 8704 : i32
    %mul3A_62 = arith.muli %arg0, %mul3A_61 : i32
    %add3A_63 = vector.broadcast %mul3A_62 : i32 to vector<512xi32>
    %add3A_64 = arith.addi %scan3A_31#8, %add3A_63 : vector<512xi32>
    %mul3A_65 = arith.constant 512 : i32
    %mul3A_66 = arith.muli %arg1, %mul3A_65 : i32
    %swap3A_67 = arith.constant 0 : index
    %swap3A_68 = arith.constant 1 : index
    %swap3A_69 = arith.index_cast %mul3A_66 : i32 to index
    %swap3A_70 = vector.load %arg7[%swap3A_67, %swap3A_68, %swap3A_69] : memref<1x5x1024xi32, #tpu.memory_space<vmem>>, vector<1x1x512xi32>
    %swap3A_71 = vector.shape_cast %swap3A_70 : vector<1x1x512xi32> to vector<512xi32>
    %swap3A_72 = vector.shape_cast %add3A_64 : vector<512xi32> to vector<1x1x512xi32>
    tpu.vector_store %arg7[%swap3A_67, %swap3A_68, %swap3A_69], %swap3A_72 {strides = array<i32>} : memref<1x5x1024xi32, #tpu.memory_space<vmem>>, vector<1x1x512xi32>,
    %mul3A_73 = arith.constant 512 : i32
    %mul3A_74 = arith.muli %arg1, %mul3A_73 : i32
    %swap3A_75 = arith.constant 0 : index
    %swap3A_76 = arith.constant 2 : index
    %swap3A_77 = arith.index_cast %mul3A_74 : i32 to index
    %swap3A_78 = vector.load %arg6[%swap3A_75, %swap3A_76, %swap3A_77] : memref<1x5x1024xf32, #tpu.memory_space<vmem>>, vector<1x1x512xf32>
    %swap3A_79 = vector.shape_cast %swap3A_78 : vector<1x1x512xf32> to vector<512xf32>
    %swap3A_80 = vector.shape_cast %scan3A_31#4 : vector<512xf32> to vector<1x1x512xf32>
    tpu.vector_store %arg6[%swap3A_75, %swap3A_76, %swap3A_77], %swap3A_80 {strides = array<i32>} : memref<1x5x1024xf32, #tpu.memory_space<vmem>>, vector<1x1x512xf32>,
    %mul3A_81 = arith.constant 8704 : i32
    %mul3A_82 = arith.muli %arg0, %mul3A_81 : i32
    %add3A_83 = vector.broadcast %mul3A_82 : i32 to vector<512xi32>
    %add3A_84 = arith.addi %scan3A_31#9, %add3A_83 : vector<512xi32>
    %mul3A_85 = arith.constant 512 : i32
    %mul3A_86 = arith.muli %arg1, %mul3A_85 : i32
    %swap3A_87 = arith.constant 0 : index
    %swap3A_88 = arith.constant 2 : index
    %swap3A_89 = arith.index_cast %mul3A_86 : i32 to index
    %swap3A_90 = vector.load %arg7[%swap3A_87, %swap3A_88, %swap3A_89] : memref<1x5x1024xi32, #tpu.memory_space<vmem>>, vector<1x1x512xi32>
    %swap3A_91 = vector.shape_cast %swap3A_90 : vector<1x1x512xi32> to vector<512xi32>
    %swap3A_92 = vector.shape_cast %add3A_84 : vector<512xi32> to vector<1x1x512xi32>
    tpu.vector_store %arg7[%swap3A_87, %swap3A_88, %swap3A_89], %swap3A_92 {strides = array<i32>} : memref<1x5x1024xi32, #tpu.memory_space<vmem>>, vector<1x1x512xi32>,
    %mul3A_93 = arith.constant 512 : i32
    %mul3A_94 = arith.muli %arg1, %mul3A_93 : i32
    %swap3A_95 = arith.constant 0 : index
    %swap3A_96 = arith.constant 3 : index
    %swap3A_97 = arith.index_cast %mul3A_94 : i32 to index
    %swap3A_98 = vector.load %arg6[%swap3A_95, %swap3A_96, %swap3A_97] : memref<1x5x1024xf32, #tpu.memory_space<vmem>>, vector<1x1x512xf32>
    %swap3A_99 = vector.shape_cast %swap3A_98 : vector<1x1x512xf32> to vector<512xf32>
    %swap3A_100 = vector.shape_cast %scan3A_31#5 : vector<512xf32> to vector<1x1x512xf32>
    tpu.vector_store %arg6[%swap3A_95, %swap3A_96, %swap3A_97], %swap3A_100 {strides = array<i32>} : memref<1x5x1024xf32, #tpu.memory_space<vmem>>, vector<1x1x512xf32>,
    %mul3A_101 = arith.constant 8704 : i32
    %mul3A_102 = arith.muli %arg0, %mul3A_101 : i32
    %add3A_103 = vector.broadcast %mul3A_102 : i32 to vector<512xi32>
    %add3A_104 = arith.addi %scan3A_31#10, %add3A_103 : vector<512xi32>
    %mul3A_105 = arith.constant 512 : i32
    %mul3A_106 = arith.muli %arg1, %mul3A_105 : i32
    %swap3A_107 = arith.constant 0 : index
    %swap3A_108 = arith.constant 3 : index
    %swap3A_109 = arith.index_cast %mul3A_106 : i32 to index
    %swap3A_110 = vector.load %arg7[%swap3A_107, %swap3A_108, %swap3A_109] : memref<1x5x1024xi32, #tpu.memory_space<vmem>>, vector<1x1x512xi32>
    %swap3A_111 = vector.shape_cast %swap3A_110 : vector<1x1x512xi32> to vector<512xi32>
    %swap3A_112 = vector.shape_cast %add3A_104 : vector<512xi32> to vector<1x1x512xi32>
    tpu.vector_store %arg7[%swap3A_107, %swap3A_108, %swap3A_109], %swap3A_112 {strides = array<i32>} : memref<1x5x1024xi32, #tpu.memory_space<vmem>>, vector<1x1x512xi32>,
    %mul3A_113 = arith.constant 512 : i32
    %mul3A_114 = arith.muli %arg1, %mul3A_113 : i32
    %swap3A_115 = arith.constant 0 : index
    %swap3A_116 = arith.constant 4 : index
    %swap3A_117 = arith.index_cast %mul3A_114 : i32 to index
    %swap3A_118 = vector.load %arg6[%swap3A_115, %swap3A_116, %swap3A_117] : memref<1x5x1024xf32, #tpu.memory_space<vmem>>, vector<1x1x512xf32>
    %swap3A_119 = vector.shape_cast %swap3A_118 : vector<1x1x512xf32> to vector<512xf32>
    %swap3A_120 = vector.shape_cast %scan3A_31#6 : vector<512xf32> to vector<1x1x512xf32>
    tpu.vector_store %arg6[%swap3A_115, %swap3A_116, %swap3A_117], %swap3A_120 {strides = array<i32>} : memref<1x5x1024xf32, #tpu.memory_space<vmem>>, vector<1x1x512xf32>,
    %mul3A_121 = arith.constant 8704 : i32
    %mul3A_122 = arith.muli %arg0, %mul3A_121 : i32
    %add3A_123 = vector.broadcast %mul3A_122 : i32 to vector<512xi32>
    %add3A_124 = arith.addi %scan3A_31#11, %add3A_123 : vector<512xi32>
    %mul3A_125 = arith.constant 512 : i32
    %mul3A_126 = arith.muli %arg1, %mul3A_125 : i32
    %swap3A_127 = arith.constant 0 : index
    %swap3A_128 = arith.constant 4 : index
    %swap3A_129 = arith.index_cast %mul3A_126 : i32 to index
    %swap3A_130 = vector.load %arg7[%swap3A_127, %swap3A_128, %swap3A_129] : memref<1x5x1024xi32, #tpu.memory_space<vmem>>, vector<1x1x512xi32>
    %swap3A_131 = vector.shape_cast %swap3A_130 : vector<1x1x512xi32> to vector<512xi32>
    %swap3A_132 = vector.shape_cast %add3A_124 : vector<512xi32> to vector<1x1x512xi32>
    tpu.vector_store %arg7[%swap3A_127, %swap3A_128, %swap3A_129], %swap3A_132 {strides = array<i32>} : memref<1x5x1024xi32, #tpu.memory_space<vmem>>, vector<1x1x512xi32>,
    return
  }
  func.func @transform_0(%arg0: i32, %arg1: i32) -> (i32, i32) {
    %c0_i32 = arith.constant 0 : i32
    %c0_i32_0 = arith.constant 0 : i32
    return %arg1, %c0_i32 : i32, i32
  }
  func.func @transform_1(%arg0: i32, %arg1: i32) -> (i32, i32) {
    %c0_i32 = arith.constant 0 : i32
    %c0_i32_0 = arith.constant 0 : i32
    return %arg1, %c0_i32 : i32, i32
  }
  func.func @transform_2(%arg0: i32, %arg1: i32) -> (i32, i32) {
    %c0_i32 = arith.constant 0 : i32
    %c0_i32_0 = arith.constant 0 : i32
    return %c0_i32, %arg0 : i32, i32
  }
  func.func @transform_3(%arg0: i32, %arg1: i32) -> (i32, i32) {
    %c0_i32 = arith.constant 0 : i32
    %c0_i32_0 = arith.constant 0 : i32
    return %arg0, %c0_i32 : i32, i32
  }
  func.func @transform_4(%arg0: i32, %arg1: i32) -> (i32, i32, i32) {
    %c0_i32 = arith.constant 0 : i32
    %c0_i32_0 = arith.constant 0 : i32
    %c0_i32_1 = arith.constant 0 : i32
    return %arg0, %c0_i32, %c0_i32_0 : i32, i32, i32
  }
  func.func @transform_5(%arg0: i32, %arg1: i32) -> (i32, i32, i32) {
    %c0_i32 = arith.constant 0 : i32
    %c0_i32_0 = arith.constant 0 : i32
    %c0_i32_1 = arith.constant 0 : i32
    return %arg0, %c0_i32, %c0_i32_0 : i32, i32, i32
  }
}

</mosaic_0001>

<sc_bundles>
// kernel: kernel.4.cloned.1.call-start
scs
__scs_entry_jumppad:
0x0: {  	(pc) =	sbr.rel $0x88, $3  }
0x1: {  	(tag) =	ssettag $0x0;
	lr =	simm.s32 $0x1  }
0x2: {  	[smem:$0x3F9C] =	sst lr;
	_ =	strace $0xD0000000  }
0x3: {  	_ = 	snop  }
0x4: {  	_ = 	snop  }
0x5: {  	_ = 	snop  }
0x6: {  	_ = 	snop  }
0x7: {  	_ = 	snop  }
__scs_overlays_trampoline_lowered:
0x8: {  	[smem:$0x3FAB] =	sst s0  }
0x9: {  	[smem:$0x3FAC] =	sst s1  }
0xa: {  	[smem:$0x3FAD] =	sst s2  }
0xb: {  	[smem:$0x3FAE] =	sst s3  }
0xc: {  	[smem:$0x3FAF] =	sst s4  }
0xd: {  	[smem:$0x3FB0] =	sst s5  }
0xe: {  	[smem:$0x3FB1] =	sst s6  }
0xf: {  	[smem:$0x3FB2] =	sst s7  }
0x10: {  	[smem:$0x3FB3] =	sst s8  }
0x11: {  	[smem:$0x3FB4] =	sst s9;
	s0 =	simm.s32 @!p0 $0x0  }
0x12: {  	s1 =	sld [smem:$0x3F9A];
	s0 =	simm.s32 @p0 $0x1  }
0x13: {  	[smem:$0x3FB5] =	sst s0;
	s0 =	simm.s32 @!p1 $0x0  }
0x14: {  	s2 =	sld [smem:$0x3F99];
	s0 =	simm.s32 @p1 $0x1  }
0x15: {  	[smem:$0x3FB6] =	sst s0;
	s0 =	simm.s32 @!p2 $0x0  }
0x16: {  	s3 =	sld [smem:$0x3FDB];
	s0 =	simm.s32 @p2 $0x1  }
0x17: {  	s4 =	simm.s32 $0x1BF5;
	[smem:$0x3FB8] =	sst s0  }
0x18: {  	s0 =	sld [smem:$0x3F9B];
	_ =	swait.ge [sflag:s4], $0x0  }
0x19: {  	s7 =	sld [smem:$0x3F9C]  }
0x1a: {  	s8 =	sadd.s32 $0xFFFFE003, lr  }
0x1b: {  	s9 =	sadd.s32 $0xFFFFFEF7, lr;
	s5 =	simm.s32 $0xFFFFFFFF;
	p2 =	slt.u32 s8, $0xFFFFF086  }
0x1c: {  	p1 =	slt.u32 s9, $0xF7A;
	s5 =	simm.s32 @!p2 $0x0  }
0x1d: {  	s5 =	simm.s32 @p1 $0x1;
	p0 =	seq.s32 s7, s2  }
0x1e: {  	s7 =	smul.u32 @!p0 $0xF7A, s2;
	p2 =	seq.s32 @!p0 s5, $0x0  }
0x1f: {  	s9 =	smul.u32 $0xF7A, s1;
	s8 =	simm.s32 @!p0 $0x1BF5;
	p2 =	por !p2, p0  }
0x20: {  	[sflag:s8] =	ssyncset.s32 @!p0 $0xFFFFF086;
	s6 =	sadd.s32 @!p0 s3, s7;
	s7 =	simm.s32 @!p0 $0x108  }
0x21: {  	s3 =	sadd.s32 s3, s9;
	s6 =	sadd.s32 @!p0 $0x88, s6;
	s7 =	simm.s32 @p2 $0x1082  }
0x22: {  	[simem:s7], [sflag:s8] =	dma.local @!p0 [hbm:s6], $0xF7A  }
0x23: {  	s9 =	sor.u32 $0xD0000000, s2;
	s6 =	simm.s32 $0x108;
	_ =	swait.ge @!p0 [sflag:s8], $0x0  }
0x24: {  	s3 =	sadd.s32 $0x88, s3;
	s6 =	simm.s32 @!p1 $0x1082;
	[sflag:s4] =	ssyncset.s32 $0xFFFFF086  }
0x25: {  	[simem:s6], [sflag:s4] =	dma.local [hbm:s3], $0xF7A  }
0x26: {  	[smem:$0x3F9C] =	sst s1;
	(tag) =	ssettag s2;
	_ =	strace s9  }
0x27: {  	s1 =	sld [smem:$0x3FAC]  }
0x28: {  	s2 =	sld [smem:$0x3FAD]  }
0x29: {  	s4 =	sld [smem:$0x3FAF]  }
0x2a: {  	p0 =	seq.s32 s5, $0x0;
	s5 =	sld [smem:$0x3FB0]  }
0x2b: {  	s6 =	sld [smem:$0x3FB1]  }
0x2c: {  	s7 =	sld [smem:$0x3FB2]  }
0x2d: {  	s3 =	simm.s32 $0x108;
	s8 =	sld [smem:$0x3FB3]  }
0x2e: {  	s3 =	simm.s32 @!p0 $0x1082;
	s9 =	sld [smem:$0x3FB4]  }
0x2f: {  	lr =	sadd.s32 s0, s3;
	s0 =	sld [smem:$0x3FAB]  }
0x30: {  	s3 =	sld [smem:$0x3FAE]  }
0x31: {  	[smem:$0x3FB7] =	sst s10  }
0x32: {  	s10 =	sld [smem:$0x3FB5];
	_ =	sdelay $0x3  }
0x33: {  	p0 =	seq.s32 s10, $0x1;
	s10 =	sld [smem:$0x3FB7];
	_ =	sdelay $0x3  }
0x34: {  	[smem:$0x3FB7] =	sst s10  }
0x35: {  	s10 =	sld [smem:$0x3FB6];
	_ =	sdelay $0x3  }
0x36: {  	p1 =	seq.s32 s10, $0x1;
	s10 =	sld [smem:$0x3FB7];
	_ =	sdelay $0x3  }
0x37: {  	[smem:$0x3FB7] =	sst s10  }
0x38: {  	s10 =	sld [smem:$0x3FB8]  }
0x39: {  	_ = 	snop;
	(pc) =	sbr.ind lr, $3  }
0x3a: {  	_ = 	snop  }
0x3b: {  	_ = 	snop  }
0x3c: {  	p2 =	seq.s32 s10, $0x1;
	s10 =	sld [smem:$0x3FB7]  }
0x3d: {  	_ =	shalt  }
0x3e: {  	_ =	shalt  }
0x3f: {  	_ =	shalt  }
0x40: {  	_ =	shalt  }
0x41: {  	_ =	shalt  }
0x42: {  	_ =	shalt  }
0x43: {  	_ =	shalt  }
0x44: {  	_ =	shalt  }
0x45: {  	_ =	shalt  }
0x46: {  	_ =	shalt  }
0x47: {  	_ =	shalt  }
0x48: {  	_ =	shalt  }
0x49: {  	_ =	shalt  }
0x4a: {  	_ =	shalt  }
0x4b: {  	_ =	shalt  }
0x4c: {  	_ =	shalt  }
0x4d: {  	_ =	shalt  }
0x4e: {  	_ =	shalt  }
0x4f: {  	_ =	shalt  }
0x50: {  	_ =	shalt  }
0x51: {  	_ =	shalt  }
0x52: {  	_ =	shalt  }
0x53: {  	_ =	shalt  }
0x54: {  	_ =	shalt  }
0x55: {  	_ =	shalt  }
0x56: {  	_ =	shalt  }
0x57: {  	_ =	shalt  }
0x58: {  	_ =	shalt  }
0x59: {  	_ =	shalt  }
0x5a: {  	_ =	shalt  }
0x5b: {  	_ =	shalt  }
0x5c: {  	_ =	shalt  }
0x5d: {  	_ =	shalt  }
0x5e: {  	_ =	shalt  }
0x5f: {  	_ =	shalt  }
0x60: {  	_ =	shalt  }
0x61: {  	_ =	shalt  }
0x62: {  	_ =	shalt  }
0x63: {  	_ =	shalt  }
0x64: {  	_ =	shalt  }
0x65: {  	_ =	shalt  }
0x66: {  	_ =	shalt  }
0x67: {  	_ =	shalt  }
0x68: {  	_ =	shalt  }
0x69: {  	_ =	shalt  }
0x6a: {  	_ =	shalt  }
0x6b: {  	_ =	shalt  }
0x6c: {  	_ =	shalt  }
0x6d: {  	_ =	shalt  }
0x6e: {  	_ =	shalt  }
0x6f: {  	_ =	shalt  }
0x70: {  	_ =	shalt  }
0x71: {  	_ =	shalt  }
0x72: {  	_ =	shalt  }
0x73: {  	_ =	shalt  }
0x74: {  	_ =	shalt  }
0x75: {  	_ =	shalt  }
0x76: {  	_ =	shalt  }
0x77: {  	_ =	shalt  }
0x78: {  	_ =	shalt  }
0x79: {  	_ =	shalt  }
0x7a: {  	_ =	shalt  }
0x7b: {  	_ =	shalt  }
0x7c: {  	_ =	shalt  }
0x7d: {  	_ =	shalt  }
0x7e: {  	_ =	shalt  }
0x7f: {  	_ =	shalt  }
0x80: {  	_ =	shalt  }
0x81: {  	_ =	shalt  }
0x82: {  	_ =	shalt  }
0x83: {  	_ =	shalt  }
0x84: {  	_ =	shalt  }
0x85: {  	_ =	shalt  }
0x86: {  	_ =	shalt  }
0x87: {  	_ =	shalt  }
.Lfunc_end0:
.L_simem_size_0:
called_computation_lowered:
.L_overlay_start_0:
0x88: {  	s2 =	sld [smem:$0x3FD9]  }
0x89: {  	s3 =	sld [smem:$0x3FFE];
	_ =	sdelay $0x1  }
0x8a: {  	s1 =	srdreg.scid  }
0x8b: {  	s0 =	sand.u32 $0x1, s1  }
0x8c: {  	s17 =	sshll.u32 s0, $0xA;
	s2 =	sadd.s32 s3, s2  }
0x8d: {  	s2 =	sadd.s32 s2, s17  }
0x8e: {  	[smem:$0x3FC3] =	sst s2  }
0x8f: {  	_ = 	snop  }
0x90: {  	s2 =	sld [smem:$0x3FC5]  }
0x91: {  	s18 =	sld [smem:$0x3FD0];
	(tm) =	ssettm $0x1  }
0x92: {  	s4 =	sld [smem:$0x3FFB];
	_ =	sdelay $0x3  }
0x93: {  	_ =	strace s4  }
0x94: {  	s4 =	sld [smem:$0x3FFC];
	_ =	sdelay $0x3  }
0x95: {  	_ =	strace s4  }
0x96: {  	s4 =	sld [smem:$0x3FFD];
	_ =	sdelay $0x3  }
0x97: {  	_ =	strace s4  }
0x98: {  	_ =	strace $0x8FFFFFFF  }
0x99: {  	s19 =	sld [smem:$0x3FDB];
	_ =	sdelay $0x1  }
0x9a: {  	s5 =	simm.s32 $_scs_section_size  }
0x9b: {  	s6 =	simm.s32 $_size__tile_overlayer_lowered;
	s7 =	simm.s32 $_tile_overlayer_lowered  }
0x9c: {  	s22 =	simm.s32 $0x1BFF;
	s21 =	sshll.u32 s7, $0x1;
	s4 =	sadd.s32 s5, s19  }
0x9d: {  	s8 =	simm.s32 $0x0;
	s20 =	sshll.u32 s6, $0x1;
	s6 =	sadd.s32 s21, s4  }
0x9e: {  	[timem:s8], [sflag:s22] =	dma.local [hbm:s6], s20  }
0x9f: {  	_ =	swait.ge [sflag:s22], s20  }
0xa0: {  	s5 =	ssub.s32 $0x0, s20;
	[sflag:s22] =	ssyncset.done $0x0  }
0xa1: {  	[sflag:s22] =	ssyncadd.s32 s5;
	_ =	sdelay $0x1  }
0xa2: {  	s23 =	simm.s32 $0x1B8B  }
0xa3: {  	_ =	swait.ge [sflag:s23], $0x1  }
0xa4: {  	[sflag:s23] =	ssyncset.done $0x0  }
0xa5: {  	s25 =	simm.s32 $0x1B8E;
	s24 =	sld [smem:$0x3FFE];
	[sflag:s23] =	ssyncadd.s32 $0xFFFFFFFF  }
0xa6: {  	s26 =	simm.s32 $execute0_lowered;
	[smem:$0x3FD2] =	sst s25  }
0xa7: {  	s6 =	sshll.u32 s26, $0x1;
	_ =	strace $0x80000046;
	[dreg:$0x1] =	wrdreg $0xFFFFFFFF  }
0xa8: {  	s28 =	simm.s32 $_size_execute0_lowered;
	s4 =	sadd.s32 s4, s6;
	[dreg:$0x0] =	wrdreg $0x0  }
0xa9: {  	s6 =	sshll.u32 s28, $0x1;
	[dreg:$0x2] =	wrdreg s4  }
0xaa: {  	[dreg:$0x3] =	wrdreg s6  }
0xab: {  	[dreg:$0x4] =	wrdreg $0xC0  }
0xac: {  	_ =	task [dreg:s8], $0x5FFFF  }
0xad: {  	[dreg:$0x1] =	wrdreg $0xFFFFFFFF  }
0xae: {  	[dreg:$0x0] =	wrdreg $0x60  }
0xaf: {  	[dreg:$0x2] =	wrdreg s24  }
0xb0: {  	[dreg:$0x3] =	wrdreg s2  }
0xb1: {  	[dreg:$0x4] =	wrdreg s18  }
0xb2: {  	[dreg:$0x5] =	wrdreg $0x9  }
0xb3: {  	_ =	task.clear_ibuf [dreg:s8], $0x6FFFF;
	_ =	strace $0x90000046  }
0xb4: {  	s29 =	simm.s32 $0x9;
	_ =	strace $0x80000048  }
0xb5: {  	_ =	swait.ge [sflag:s29], $0x1  }
0xb6: {  	[sflag:s29] =	ssyncadd.s32 $0xFFFFFFFF  }
0xb7: {  	_ =	strace $0x90000048  }
0xb8: {  	_ =	sfence  }
0xb9: {  	s30 =	sld [smem:$0x0];
	_ =	sdelay $0x2  }
0xba: {  	s31 =	sshll.u32 s1, $0xD;
	s1 =	sshrl.u32 s1, $0x2  }
0xbb: {  	s3 =	sand.u32 $0x4000, s31;
	s1 =	sadd.s32 s1, s30  }
0xbc: {  	s0 =	sor.u32 s3, s0;
	s1 =	sshll.u32 s1, $0x11  }
0xbd: {  	s0 =	sor.u32 s1, s0  }
0xbe: {  	s0 =	sadd.s32 $0x8F2B, s0  }
0xbf: {  	[sflag:s0] =	ssyncadd.remote.s32 $0x1  }
0xc0: {  	_ =	sfence.sel $0xFFFF  }
0xc1: {  	[dreg:$0x0] =	wrdreg $0xFFFFFFFF;
	(pc) =	sbr.abs _section_cstart, $3  }
0xc2: {  	[dreg:$0x1] =	wrdreg $0xFFFFFFFF  }
0xc3: {  	_ =	task.clear_ibuf [dreg:s8], $0x2FFFF;
	_ =	strace $0x9FFFFFFF  }
0xc4: {  	(tm) =	ssettm $0x7FFFFFFF  }
0xc5: {  	_ =	shalt  }
tec
execute0_lowered:
.L_overlay_start_1:
0x0: {  	(tag) =	ssettag $0x1  }
0x1: {  	s4 =	rddreg [dreg:$0x0]  }
0x2: {  	s1 =	rddreg [dreg:$0x1]  }
0x3: {  	s9 =	rddreg [dreg:$0x2]  }
0x4: {  	s0 =	rddreg [dreg:$0x3];
	s3 =	simm.s32 $0x0;
	s5 =	srdreg.scid  }
0x5: {  	s2 =	stileid.u32;
	s14 =	simm.s32 $0x1;
	s15 =	simm.s32 $0x880  }
0x6: {  	s16 =	simm.s32 $0x900;
	s17 =	simm.s32 $0x980;
	s18 =	simm.s32 $0xA00  }
0x7: {  	s19 =	simm.s32 $0xC00;
	s20 =	simm.s32 $0x0;
	[smem:$0x7FF] =	sst s3  }
0x8: {  	s5 =	sand.u32 $0x1, s5;
	s7 =	sshll.u32 s2, $0x1;
	s8 =	sadd.s32 $0x2600, s4  }
0x9: {  	s11 =	sadd.s32 $0x600, s4;
	s6 =	ssub.s32 $0x2, s5;
	s5 =	sor.u32 s5, s7  }
0xa: {  	_ =	strace $0x80000047;
	s10 =	sshrl.u32 s6, $0x1;
	s30 =	sshll.u32 s5, $0x8  }
0xb: {  	s7 =	sshll.u32 s5, $0x2;
	s12 =	sshllo.u32 s5, $0x1;
	s10 =	ssub.s32 s6, s10  }
0xc: {  	s4 =	sadd.s32 s8, s30;
	s5 =	sadd.s32 s11, s30;
	s6 =	sadd.s32 s9, s7  }
0xd: {  	s13 =	sshll.u32 s12, $0x7;
	s31 =	sshll.u32 s12, $0x1;
	s12 =	simm.s32 $0x400  }
0xe: {  	s7 =	sadd.s32 s8, s13;
	s8 =	sadd.s32 s11, s13;
	s9 =	sadd.s32 s9, s31  }
0xf: {  	vm0 =	vmmov $0xffff;
	s10 =	smax.u32 s10, $0x1;
	s11 =	simm.s32 $0x2;
	s13 =	simm.s32 $0x800  }
.LBB2_1:
0x10: {  	[tilespmem:s3], [sflag:$0x2] =	stream.linear.gather [hbm4b:s4+s3], $0x400, $0x38;
	[tilespmem:$0xC80] =	vst v63  }
0x11: {  	_ =	swait.ge [sflag:s11], $0x400  }
0x12: {  	[sflag:s11] =	ssyncset.done $0x0  }
0x13: {  	[sflag:s11] =	ssyncadd.s32 $0xFFFFFC00  }
0x14: {  	[tilespmem:s12], [sflag:$0x2] =	stream.linear.gather [hbm4b:s5+s3], $0x400, $0x38;
	[tilespmem:$0xC80] =	vst v63  }
0x15: {  	_ =	swait.ge [sflag:s11], $0x400  }
0x16: {  	[sflag:s11] =	ssyncset.done $0x0  }
0x17: {  	s21 =	simm.s32 $0x0;
	[sflag:s11] =	ssyncadd.s32 $0xFFFFFC00  }
0x18: {  	v1 =	vld [tilespmem:s21+$0x0];
	_ =	sdelay $0x2  }
0x19: {  	s22 =	simm.s32 $0x10;
	v3 =	vld [tilespmem:s21+$0x400]  }
0x1a: {  	v2 =	vimm.f32 $+Inf;
	v9 =	vld [tilespmem:s22+$0x0]  }
0x1b: {  	vm1 =	vlt.f32 v1, v2  }
0x1c: {  	v0 =	vimm.s32 $0x0;
	v4 =	vsel vm1, v2, v1  }
0x1d: {  	v6 =	vimm.f32 $+Inf;
	v10 =	vsel vm1, v1, v2;
	vm3 =	vlt.f32 v4, v2  }
0x1e: {  	v11 =	vsel vm1, v3, v0;
	v1 =	vsel vm1, v0, v3;
	v12 =	vsel vm3, v2, v4  }
0x1f: {  	vm4 =	vlt.f32 v9, v10;
	v7 =	vsel vm3, v4, v2;
	vm2 =	vlt.f32 v12, v2  }
0x20: {  	v3 =	vsel vm3, v0, v1;
	v8 =	vsel vm3, v1, v0;
	v4 =	vsel vm2, v2, v12  }
0x21: {  	v16 =	vld [tilespmem:s22+$0x400];
	v17 =	vsel vm4, v10, v9;
	v13 =	vsel vm2, v0, v3;
	vm1 =	vlt.f32 v4, v2  }
0x22: {  	v5 =	vsel vm2, v3, v0;
	v1 =	vsel vm1, v13, v0;
	v14 =	vsel vm1, v2, v4  }
0x23: {  	s21 =	simm.s32 $0x80;
	v15 =	vmovc v11;
	v3 =	vsel vm1, v4, v2;
	v4 =	vimm.s32 $0x0;
	vm3 =	vlt.f32 v14, v2  }
.LBB2_2:
0x24: {  	s22 =	sshra.s32 s21, $0x2;
	p0 =	sne.s32 s21, $0xFC0;
	s21 =	sadd.s32 $0x40, s21;
	v2 =	vsel vm2, v12, v2;
	v12 =	vsel vm1, v0, v13;
	v6 =	vsel vm3, v14, v6;
	v0 =	vmovc v1  }
0x25: {  	v10 =	vsel vm4, v9, v10;
	vm1 =	vlt.f32 v17, v7;
	v9 =	vld [tilespmem:s22+$0x0];
	v4 =	vsel vm3, v12, v4  }
0x26: {  	v12 =	vsel vm1, v7, v17;
	v7 =	vsel vm1, v17, v7;
	v11 =	vsel vm4, v16, v11  }
.Ltmp0:
0x27: {  	v13 =	vsel vm4, v15, v16;
	vm2 =	vlt.f32 v12, v2;
	v15 =	vmov v11;
	(pc) =	sbr.rel @p0 .LBB2_2-.Ltmp0, $4  }
0x28: {  	v14 =	vsel vm1, v8, v13;
	v8 =	vsel vm1, v13, v8;
	v18 =	vsel vm2, v2, v12  }
0x29: {  	v13 =	vsel vm2, v5, v14;
	v5 =	vsel vm2, v14, v5;
	vm1 =	vlt.f32 v18, v3;
	v16 =	vld [tilespmem:s22+$0x400]  }
0x2a: {  	v1 =	vsel vm1, v13, v1;
	v14 =	vsel vm1, v3, v18;
	vm4 =	vlt.f32 v9, v10  }
0x2b: {  	v3 =	vsel vm1, v18, v3;
	vm3 =	vlt.f32 v14, v6;
	v17 =	vsel vm4, v10, v9  }
0x2c: {  	_ =	sdelay $0x1  }
0x2d: {  	v9 =	vsel vm4, v16, v11;
	_ =	sdelay $0x2  }
0x2e: {  	v10 =	vsel vm4, v15, v16;
	vm4 =	vlt.f32 v17, v7  }
0x2f: {  	s21 =	simm.s32 $0x0;
	v11 =	vsel vm4, v10, v8  }
0x30: {  	[tilespmem:s13], [sflag:$0x1] =	stream.indirect_vreg.gather [hbm4b:s1+s21], $0x1, v9, vm0, $0xb8;
	[tilespmem:$0xC80] =	vst v63  }
0x31: {  	v2 =	vsel vm2, v12, v2;
	v7 =	vsel vm4, v7, v17;
	_ =	swait.ge [sflag:s14], $0x10  }
0x32: {  	v8 =	vsel vm4, v8, v10;
	vm2 =	vlt.f32 v7, v2;
	[sflag:s14] =	ssyncset.done $0x0  }
0x33: {  	v9 =	vsel vm2, v8, v5;
	[sflag:s14] =	ssyncadd.s32 $0xFFFFFFF0  }
0x34: {  	[tilespmem:s15], [sflag:$0x1] =	stream.indirect_vreg.gather [hbm4b:s1+s21], $0x1, v11, vm0, $0xb8;
	[tilespmem:$0xC80] =	vst v63  }
0x35: {  	v2 =	vsel vm2, v2, v7;
	_ =	swait.ge [sflag:s14], $0x10  }
0x36: {  	v5 =	vsel vm2, v5, v8;
	vm2 =	vlt.f32 v2, v3;
	[sflag:s14] =	ssyncset.done $0x0  }
0x37: {  	v7 =	vsel vm2, v5, v1;
	[sflag:s14] =	ssyncadd.s32 $0xFFFFFFF0  }
0x38: {  	[tilespmem:s16], [sflag:$0x1] =	stream.indirect_vreg.gather [hbm4b:s1+s21], $0x1, v9, vm0, $0xb8;
	[tilespmem:$0xC80] =	vst v63  }
0x39: {  	v0 =	vsel vm1, v0, v13;
	v6 =	vsel vm3, v14, v6;
	v2 =	vsel vm2, v3, v2;
	_ =	swait.ge [sflag:s14], $0x10  }
0x3a: {  	v0 =	vsel vm3, v0, v4;
	v1 =	vsel vm2, v1, v5;
	vm1 =	vlt.f32 v2, v6;
	[sflag:s14] =	ssyncset.done $0x0  }
0x3b: {  	v0 =	vsel vm1, v1, v0;
	[sflag:s14] =	ssyncadd.s32 $0xFFFFFFF0  }
0x3c: {  	[tilespmem:s17], [sflag:$0x1] =	stream.indirect_vreg.gather [hbm4b:s1+s21], $0x1, v7, vm0, $0xb8;
	[tilespmem:$0xC80] =	vst v63  }
0x3d: {  	_ =	swait.ge [sflag:s14], $0x10  }
0x3e: {  	[sflag:s14] =	ssyncset.done $0x0  }
0x3f: {  	[sflag:s14] =	ssyncadd.s32 $0xFFFFFFF0  }
0x40: {  	[tilespmem:s18], [sflag:$0x1] =	stream.indirect_vreg.gather [hbm4b:s1+s21], $0x1, v0, vm0, $0xb8;
	[tilespmem:$0xC80] =	vst v63  }
0x41: {  	_ =	swait.ge [sflag:s14], $0x10  }
0x42: {  	[sflag:s14] =	ssyncset.done $0x0  }
0x43: {  	[sflag:s14] =	ssyncadd.s32 $0xFFFFFFF0  }
0x44: {  	v0 =	vld [tilespmem:$0x800]  }
0x45: {  	v1 =	vld [tilespmem:$0x880];
	_ =	sdelay $0x1  }
0x46: {  	v2 =	vld [tilespmem:$0x900];
	_ =	sdelay $0x1  }
0x47: {  	v3 =	vld [tilespmem:$0x980]  }
0x48: {  	v0 =	vadd.f32 v1, v0  }
0x49: {  	v1 =	vld [tilespmem:$0xA00]  }
0x4a: {  	v0 =	vadd.f32 v2, v0;
	_ =	sdelay $0x1  }
0x4b: {  	v0 =	vadd.f32 v3, v0;
	_ =	sdelay $0x1  }
0x4c: {  	v0 =	vadd.f32 v1, v0;
	_ =	sdelay $0x1  }
0x4d: {  	v0 =	vmul.f32 $2.000000030e-01, v0;
	_ =	sdelay $0x1  }
0x4e: {  	[tilespmem:$0xC00] =	vst v0  }
0x4f: {  	[hbm4b:s6+s21] =	stream.linear.scatter [tilespmem:s19], [sflag:$0x2], $0x10, $0x38;
	[tilespmem:$0xC80] =	vst v63  }
0x50: {  	_ =	swait.ge [sflag:s11], $0x10  }
0x51: {  	[sflag:s11] =	ssyncset.done $0x0  }
0x52: {  	[sflag:s11] =	ssyncadd.s32 $0xFFFFFFF0  }
0x53: {  	[tilespmem:s21], [sflag:$0x2] =	stream.linear.gather [hbm4b:s7+s21], $0x400, $0x38;
	[tilespmem:$0xC80] =	vst v63  }
0x54: {  	_ =	swait.ge [sflag:s11], $0x400  }
0x55: {  	[sflag:s11] =	ssyncset.done $0x0  }
0x56: {  	[sflag:s11] =	ssyncadd.s32 $0xFFFFFC00  }
0x57: {  	[tilespmem:s12], [sflag:$0x2] =	stream.linear.gather [hbm4b:s8+s21], $0x400, $0x38;
	[tilespmem:$0xC80] =	vst v63  }
0x58: {  	_ =	swait.ge [sflag:s11], $0x400  }
0x59: {  	[sflag:s11] =	ssyncset.done $0x0  }
0x5a: {  	s31 =	simm.s32 $0x0;
	[sflag:s11] =	ssyncadd.s32 $0xFFFFFC00  }
0x5b: {  	v1 =	vld [tilespmem:s31+$0x0];
	_ =	sdelay $0x2  }
0x5c: {  	s22 =	simm.s32 $0x10;
	v3 =	vld [tilespmem:s31+$0x400]  }
0x5d: {  	v2 =	vimm.f32 $+Inf;
	v9 =	vld [tilespmem:s22+$0x0]  }
0x5e: {  	vm1 =	vlt.f32 v1, v2  }
0x5f: {  	v6 =	vimm.f32 $+Inf;
	v4 =	vsel vm1, v2, v1  }
0x60: {  	v0 =	vimm.s32 $0x0;
	v10 =	vsel vm1, v1, v2;
	vm3 =	vlt.f32 v4, v2  }
0x61: {  	v11 =	vsel vm1, v3, v0;
	v1 =	vsel vm1, v0, v3;
	v12 =	vsel vm3, v2, v4  }
0x62: {  	vm4 =	vlt.f32 v9, v10;
	v7 =	vsel vm3, v4, v2;
	vm2 =	vlt.f32 v12, v2  }
0x63: {  	v3 =	vsel vm3, v0, v1;
	v8 =	vsel vm3, v1, v0;
	v4 =	vsel vm2, v2, v12  }
0x64: {  	v16 =	vld [tilespmem:s22+$0x400];
	v17 =	vsel vm4, v10, v9;
	v13 =	vsel vm2, v0, v3;
	vm1 =	vlt.f32 v4, v2  }
0x65: {  	v5 =	vsel vm2, v3, v0;
	v1 =	vsel vm1, v13, v0;
	v14 =	vsel vm1, v2, v4  }
0x66: {  	s21 =	simm.s32 $0x80;
	v15 =	vmovc v11;
	v3 =	vsel vm1, v4, v2;
	v4 =	vimm.s32 $0x0;
	vm3 =	vlt.f32 v14, v2  }
.LBB2_4:
0x67: {  	s22 =	sshra.s32 s21, $0x2;
	p0 =	sne.s32 s21, $0xFC0;
	s21 =	sadd.s32 $0x40, s21;
	v2 =	vsel vm2, v12, v2;
	v12 =	vsel vm1, v0, v13;
	v6 =	vsel vm3, v14, v6;
	v0 =	vmovc v1  }
0x68: {  	v10 =	vsel vm4, v9, v10;
	vm1 =	vlt.f32 v17, v7;
	v9 =	vld [tilespmem:s22+$0x0];
	v4 =	vsel vm3, v12, v4  }
0x69: {  	v12 =	vsel vm1, v7, v17;
	v7 =	vsel vm1, v17, v7;
	v11 =	vsel vm4, v16, v11  }
.Ltmp1:
0x6a: {  	v13 =	vsel vm4, v15, v16;
	vm2 =	vlt.f32 v12, v2;
	v15 =	vmov v11;
	(pc) =	sbr.rel @p0 .LBB2_4-.Ltmp1, $4  }
0x6b: {  	v14 =	vsel vm1, v8, v13;
	v8 =	vsel vm1, v13, v8;
	v18 =	vsel vm2, v2, v12  }
0x6c: {  	v13 =	vsel vm2, v5, v14;
	v5 =	vsel vm2, v14, v5;
	vm1 =	vlt.f32 v18, v3;
	v16 =	vld [tilespmem:s22+$0x400]  }
0x6d: {  	v1 =	vsel vm1, v13, v1;
	v14 =	vsel vm1, v3, v18;
	vm4 =	vlt.f32 v9, v10  }
0x6e: {  	v3 =	vsel vm1, v18, v3;
	vm3 =	vlt.f32 v14, v6;
	v17 =	vsel vm4, v10, v9  }
0x6f: {  	_ =	sdelay $0x1  }
0x70: {  	v9 =	vsel vm4, v16, v11;
	_ =	sdelay $0x2  }
0x71: {  	vm15 =	vlt.f32 v17, v7;
	v10 =	vsel vm4, v15, v16  }
0x72: {  	v53 =	vsel vm15, v10, v8  }
0x73: {  	[tilespmem:s13], [sflag:$0x1] =	stream.indirect_vreg.gather [hbm4b:s1+s3], $0x1, v9, vm0, $0xb8;
	[tilespmem:$0xC80] =	vst v63  }
0x74: {  	v2 =	vsel vm2, v12, v2;
	v7 =	vsel vm15, v7, v17;
	_ =	swait.ge [sflag:s14], $0x10  }
0x75: {  	vm2 =	vlt.f32 v7, v2;
	v54 =	vsel vm15, v8, v10;
	[sflag:s14] =	ssyncset.done $0x0  }
0x76: {  	v55 =	vsel vm2, v54, v5;
	[sflag:s14] =	ssyncadd.s32 $0xFFFFFFF0  }
0x77: {  	[tilespmem:s15], [sflag:$0x1] =	stream.indirect_vreg.gather [hbm4b:s1+s3], $0x1, v53, vm0, $0xb8;
	[tilespmem:$0xC80] =	vst v63  }
0x78: {  	v2 =	vsel vm2, v2, v7;
	_ =	swait.ge [sflag:s14], $0x10  }
0x79: {  	v56 =	vsel vm2, v5, v54;
	vm2 =	vlt.f32 v2, v3;
	[sflag:s14] =	ssyncset.done $0x0  }
0x7a: {  	v57 =	vsel vm2, v56, v1;
	[sflag:s14] =	ssyncadd.s32 $0xFFFFFFF0  }
0x7b: {  	[tilespmem:s16], [sflag:$0x1] =	stream.indirect_vreg.gather [hbm4b:s1+s3], $0x1, v55, vm0, $0xb8;
	[tilespmem:$0xC80] =	vst v63  }
0x7c: {  	v0 =	vsel vm1, v0, v13;
	v6 =	vsel vm3, v14, v6;
	v2 =	vsel vm2, v3, v2;
	_ =	swait.ge [sflag:s14], $0x10  }
0x7d: {  	v0 =	vsel vm3, v0, v4;
	v58 =	vsel vm2, v1, v56;
	vm1 =	vlt.f32 v2, v6;
	[sflag:s14] =	ssyncset.done $0x0  }
0x7e: {  	v0 =	vsel vm1, v58, v0;
	[sflag:s14] =	ssyncadd.s32 $0xFFFFFFF0  }
0x7f: {  	[tilespmem:s17], [sflag:$0x1] =	stream.indirect_vreg.gather [hbm4b:s1+s3], $0x1, v57, vm0, $0xb8;
	[tilespmem:$0xC80] =	vst v63  }
0x80: {  	_ =	swait.ge [sflag:s14], $0x10  }
0x81: {  	[sflag:s14] =	ssyncset.done $0x0  }
0x82: {  	[sflag:s14] =	ssyncadd.s32 $0xFFFFFFF0  }
0x83: {  	[tilespmem:s18], [sflag:$0x1] =	stream.indirect_vreg.gather [hbm4b:s1+s3], $0x1, v0, vm0, $0xb8;
	[tilespmem:$0xC80] =	vst v63  }
0x84: {  	_ =	swait.ge [sflag:s14], $0x10  }
0x85: {  	[sflag:s14] =	ssyncset.done $0x0  }
0x86: {  	[sflag:s14] =	ssyncadd.s32 $0xFFFFFFF0  }
0x87: {  	v59 =	vld [tilespmem:$0x800]  }
0x88: {  	v60 =	vld [tilespmem:$0x880];
	_ =	sdelay $0x1  }
0x89: {  	v61 =	vld [tilespmem:$0x900];
	_ =	sdelay $0x1  }
0x8a: {  	v62 =	vld [tilespmem:$0x980]  }
0x8b: {  	v0 =	vadd.f32 v60, v59  }
0x8c: {  	v63 =	vld [tilespmem:$0xA00]  }
0x8d: {  	v0 =	vadd.f32 v61, v0;
	_ =	sdelay $0x1  }
0x8e: {  	v0 =	vadd.f32 v62, v0;
	_ =	sdelay $0x1  }
0x8f: {  	v0 =	vadd.f32 v63, v0;
	_ =	sdelay $0x1  }
0x90: {  	s20 =	sadd.s32 $0x1, s20;
	v0 =	vmul.f32 $2.000000030e-01, v0  }
0x91: {  	p0 =	sne.s32 s20, s10  }
.Ltmp2:
0x92: {  	[tilespmem:$0xC00] =	vst v0;
	(pc) =	sbr.rel @p0 .LBB2_1-.Ltmp2, $4  }
0x93: {  	[hbm4b:s9+s3] =	stream.linear.scatter [tilespmem:s19], [sflag:$0x2], $0x10, $0x38;
	[tilespmem:$0xC80] =	vst v63  }
0x94: {  	_ =	swait.ge [sflag:s11], $0x10  }
0x95: {  	[sflag:s11] =	ssyncset.done $0x0  }
0x96: {  	[sflag:s11] =	ssyncadd.s32 $0xFFFFFFF0  }
0x97: {  	_ =	sfence.sel $0x180000  }
0x98: {  	[bflag:$0x0] =	sbarrier.arrive $0xFFFF  }
0x99: {  	p0 =	sne.s32 s2, $0x0;
	_ =	strace $0x90000047  }
0x9a: {  	s0 =	sadd.s32 @!p0 $0x100000, s0;
	[bflag:$0x2] =	sbarrier.arrive $0xFFFF  }
0x9b: {  	[sflag:s0] =	ssyncadd.tile.s32 @!p0 $0x1;
	_ =	shalt  }
.Lfunc_end2:
_tile_overlayer_lowered:
.L_overlay_start_2:
0x9c: {  	(tag) =	ssettag $0x2  }
0x9d: {  	s0 =	rddreg [dreg:$0x0];
	s2 =	stileid.u32  }
0x9e: {  	s1 =	rddreg [dreg:$0x1];
	p0 =	sne.s32 s2, $0x0  }
0x9f: {  	s3 =	rddreg [dreg:$0x2];
	[bflag:$0x3] =	sbarrier.arrive $0xFFFF;
	s2 =	simm.s32 @!p0 $0x1C02  }
0xa0: {  	[timem:s3], [sflag:s2] =	dma.local @!p0 [hbm:s0], s1  }
0xa1: {  	s0 =	simm.s32 @!p0 $0x2  }
0xa2: {  	_ =	swait.ge @!p0 [sflag:s0], s1  }
0xa3: {  	s1 =	ssub.s32 @!p0 $0x0, s1;
	[sflag:s0] =	ssyncset.done @!p0 $0x0  }
0xa4: {  	[sflag:s0] =	ssyncadd.s32 @!p0 s1  }
0xa5: {  	[bflag:$0x3] =	sbarrier.arrive $0xFFFF  }
0xa6: {  	_ =	shalt  }

</sc_bundles>
